<compile_context>
chip_gen: v7x
topology: tpu7x:2x2x1
jax: 0.10.2.dev20260603
libtpu: 0.0.44.dev20260713+nightly
codegen_flags: <defaults>
</compile_context>

<pallas_src>
import functools

import jax
import jax.numpy as jnp
from jax import lax
from jax.experimental import pallas as pl
from jax.experimental.pallas import tpu as pltpu
from jax.experimental.pallas import tpu_sc as plsc

N_NODES = 100000
N_CLAUSES = 100000
E = 3200000

NC = 2
NS = 16
L = 16
NW = NC * NS
CH = 2560
NCHUNK = E // CH
FULL = NCHUNK // NW
REM = NCHUNK - FULL * NW
GRP = CH // L
PKW = 3136
NCP = 100352


def _pack_body(xvt_ref, out_ref):
    x = xvt_ref[...]
    shifts = lax.broadcasted_iota(jnp.int32, (32, PKW), 0)
    bits = jnp.where(x >= 0.5, jnp.left_shift(jnp.int32(1), shifts),
                     jnp.int32(0))
    out_ref[...] = jnp.sum(bits, axis=0, keepdims=True)


def _reduce_body(h_ref, o_ref):
    s = h_ref[pl.ds(0, NCP)]
    for r in range(1, NW):
        s = s + h_ref[pl.ds(r * NCP, NCP)]
    o_ref[0, 0] = jnp.min(s[:N_CLAUSES]).astype(jnp.float32)


def _hist_body(pos_hbm, neg_hbm, pk_hbm, out_hbm,
               hist, pk, buf0, buf1, sem0, sem1):
    wid = lax.axis_index("s") * NC + lax.axis_index("c")
    nk = FULL + jnp.where(wid < REM, 1, 0)

    def start(adj_hbm, j, buf, sem):
        off = (wid + j * NW) * CH
        pltpu.make_async_copy(adj_hbm.at[:, pl.ds(off, CH)], buf,
                              sem).start()

    def drain(adj_hbm, buf, sem):
        pltpu.make_async_copy(adj_hbm.at[:, pl.ds(0, CH)], buf,
                              sem).wait()

    start(pos_hbm, 0, buf0, sem0)
    start(pos_hbm, 1, buf1, sem1)

    pltpu.sync_copy(pk_hbm.at[0], pk)

    zero = jnp.zeros((L,), jnp.int32)

    @plsc.parallel_loop(0, NCP // L, unroll=16)
    def _(i):
        hist[pl.ds(i * L, L)] = zero

    ones = jnp.ones((L,), jnp.int32)

    def run_groups(buf, want_bit):
        @plsc.parallel_loop(0, GRP, unroll=16)
        def _(g):
            nid = buf[1, pl.ds(g * L, L)]
            cid = buf[0, pl.ds(g * L, L)]
            w = plsc.load_gather(pk, [lax.shift_right_logical(nid, 5)])
            bit = jnp.bitwise_and(
                lax.shift_right_logical(w, jnp.bitwise_and(nid, 31)), 1)
            plsc.addupdate_scatter(hist, [cid], ones, mask=bit == want_bit)

    def process(adj_hbm, want_bit, primed):
        if not primed:
            start(adj_hbm, 0, buf0, sem0)
            start(adj_hbm, 1, buf1, sem1)

        def pair_body(j, _):
            j0 = 2 * j

            @pl.when(j0 < nk)
            def _():
                drain(adj_hbm, buf0, sem0)
                run_groups(buf0, want_bit)

            @pl.when(j0 + 2 < nk)
            def _():
                start(adj_hbm, j0 + 2, buf0, sem0)

            @pl.when(j0 + 1 < nk)
            def _():
                drain(adj_hbm, buf1, sem1)
                run_groups(buf1, want_bit)

            @pl.when(j0 + 3 < nk)
            def _():
                start(adj_hbm, j0 + 3, buf1, sem1)

            return 0

        lax.fori_loop(0, (FULL + 2) // 2, pair_body, 0)

    process(pos_hbm, 1, True)
    process(neg_hbm, 0, False)

    pltpu.sync_copy(hist, out_hbm.at[pl.ds(wid * NCP, NCP)])


_hist_kernel = functools.partial(
    pl.kernel,
    out_type=jax.ShapeDtypeStruct((NW * NCP,), jnp.int32),
    mesh=plsc.VectorSubcoreMesh(core_axis_name="c", subcore_axis_name="s"),
    compiler_params=pltpu.CompilerParams(needs_layout_passes=False,
                                         use_tc_tiling_on_sc=True),
    scratch_types=[
        pltpu.VMEM((NCP,), jnp.int32),
        pltpu.VMEM((PKW,), jnp.int32),
        pltpu.VMEM((2, CH), jnp.int32),
        pltpu.VMEM((2, CH), jnp.int32),
        pltpu.SemaphoreType.DMA,
        pltpu.SemaphoreType.DMA,
    ],
)(_hist_body)


def kernel(xv, adj_pos, adj_neg):
    xvp = jnp.concatenate(
        [xv, jnp.zeros((PKW * 32 - N_NODES,), jnp.float32)])
    xvt = xvp.reshape(PKW, 32).T
    pk = pl.pallas_call(
        _pack_body,
        out_shape=jax.ShapeDtypeStruct((1, PKW), jnp.int32),
    )(xvt)
    hist = _hist_kernel(adj_pos, adj_neg, pk)
    out = pl.pallas_call(
        _reduce_body,
        out_shape=jax.ShapeDtypeStruct((1, 1), jnp.float32),
        out_specs=pl.BlockSpec(memory_space=pltpu.SMEM),
    )(hist)
    return out[0, 0]

# --- scband reference (transcript-rebuilt; emitter-appended) ---
"""Pipeline reference for scband-accuracy-compute-42966852829436 (READ-ONLY COPY).

The authoritative reference and input builder live on the scoring server;
editing this copy changes nothing except your own understanding.
"""

import jax, jax.numpy as jnp
import numpy as np

N_NODES = 100000
N_CLAUSES = 100000
E = 3200000


def setup_inputs(seed: int = 0) -> dict:
    key = jax.random.key(seed)
    k1, k2, k3 = jax.random.split(key, 3)
    xv = jax.random.uniform(k1, (N_NODES,), dtype=jnp.float32)
    adj_pos = jax.random.randint(k2, (2, E), 0, N_NODES, dtype=jnp.int32)
    adj_neg = jax.random.randint(k3, (2, E), 0, N_NODES, dtype=jnp.int32)
    return {"xv": xv, "adj_pos": adj_pos, "adj_neg": adj_neg}


def reference(xv, adj_pos, adj_neg):
    # xv = xv.view(-1); xv = xv // 0.5  (threshold at 0.5 -> 0/1 literal values)
    xv = xv.reshape(-1)
    xv = xv // 0.5
    # gather literal values: positive literals take xv, negative take (1 - xv)
    xp = xv[adj_pos[1]]
    xn = (1.0 - xv)[adj_neg[1]]
    x = jnp.concatenate((xp, xn))
    idx = jnp.concatenate((adj_pos[0], adj_neg[0]))
    # scatter(x, idx, reduce='sum') -> per-clause satisfied-literal count
    clause_sat = jax.ops.segment_sum(x, idx, num_segments=N_CLAUSES)
    # min(clause_sat): scalar min over all clauses
    return jnp.min(clause_sat)

if __name__ == "__main__":
    import jax
    _d = setup_inputs()
    print(jax.jit(kernel)(*tuple(_d.values())))

</pallas_src>

<mosaic_0001>
#map = affine_map<(d0, d1) -> (0, 0)>
#map1 = affine_map<(d0, d1) -> (0)>
module attributes {stable_mosaic.version = 14 : i64} {
  func.func @_hist_body(%arg0: i32, %arg1: i32, %arg2: memref<2x3200000xi32, #tpu.memory_space<hbm>>, %arg3: memref<2x3200000xi32, #tpu.memory_space<hbm>>, %arg4: memref<1x3136xi32, #tpu.memory_space<hbm>>, %arg5: memref<3211264xi32, #tpu.memory_space<hbm>>, %arg6: memref<100352xi32, #tpu.memory_space<vmem>>, %arg7: memref<3136xi32, #tpu.memory_space<vmem>>, %arg8: memref<2x2560xi32, #tpu.memory_space<vmem>>, %arg9: memref<2x2560xi32, #tpu.memory_space<vmem>>, %arg10: memref<!tpu.dma_semaphore, #tpu.memory_space<semaphore_mem>>, %arg11: memref<!tpu.dma_semaphore, #tpu.memory_space<semaphore_mem>>) attributes {dimension_semantics = [#tpu.dimension_semantics<core_parallel>, #tpu.dimension_semantics<subcore_parallel>], iteration_bounds = array<i64: 2, 16>, scalar_prefetch = 0 : i64, scratch_operands = 6 : i64, tpu.core_type = #tpu.core_type<sc_vector_subcore>, window_params = [{transform_indices = #map}, {transform_indices = #map}, {transform_indices = #map}, {transform_indices = #map1}]} {
    %mul3A = arith.constant 2 : i32
    %mul3A_0 = arith.muli %arg1, %mul3A : i32
    %add3A = arith.addi %mul3A_0, %arg0 : i32
    %lt3A = arith.constant 2 : i32
    %lt3A_1 = arith.cmpi slt, %add3A, %lt3A : i32
    %jit3A = arith.constant 1 : i32
    %jit3A_2 = arith.constant 0 : i32
    %select_n3A = arith.select %lt3A_1, %jit3A, %jit3A_2 : i32
    %add3A_3 = arith.constant 39 : i32
    %add3A_4 = arith.addi %add3A_3, %select_n3A : i32
    %add3A_5 = arith.constant 0 : i32
    %add3A_6 = arith.addi %add3A, %add3A_5 : i32
    %mul3A_7 = arith.constant 2560 : i32
    %mul3A_8 = arith.muli %add3A_6, %mul3A_7 : i32
    %dma_start3A = arith.constant 0 : i32
    %dma_start3A_9 = tpu.memref_slice %arg2[%dma_start3A, %mul3A_8] : memref<2x3200000xi32, #tpu.memory_space<hbm>> -> memref<2x2560xi32, #tpu.memory_space<hbm>>
    %dma_start3A_10 = arith.constant 0 : i32
    %dma_start3A_11 = tpu.memref_slice %arg2[%dma_start3A_10, %mul3A_8] : memref<2x3200000xi32, #tpu.memory_space<hbm>> -> memref<2x2560xi32, #tpu.memory_space<hbm>>
    tpu.enqueue_dma source(%dma_start3A_11 : memref<2x2560xi32, #tpu.memory_space<hbm>>) target(%arg8 : memref<2x2560xi32, #tpu.memory_space<vmem>>) target_semaphore(%arg10 : memref<!tpu.dma_semaphore, #tpu.memory_space<semaphore_mem>>)
    %add3A_12 = arith.constant 32 : i32
    %add3A_13 = arith.addi %add3A, %add3A_12 : i32
    %mul3A_14 = arith.constant 2560 : i32
    %mul3A_15 = arith.muli %add3A_13, %mul3A_14 : i32
    %dma_start3A_16 = arith.constant 0 : i32
    %dma_start3A_17 = tpu.memref_slice %arg2[%dma_start3A_16, %mul3A_15] : memref<2x3200000xi32, #tpu.memory_space<hbm>> -> memref<2x2560xi32, #tpu.memory_space<hbm>>
    %dma_start3A_18 = arith.constant 0 : i32
    %dma_start3A_19 = tpu.memref_slice %arg2[%dma_start3A_18, %mul3A_15] : memref<2x3200000xi32, #tpu.memory_space<hbm>> -> memref<2x2560xi32, #tpu.memory_space<hbm>>
    tpu.enqueue_dma source(%dma_start3A_19 : memref<2x2560xi32, #tpu.memory_space<hbm>>) target(%arg9 : memref<2x2560xi32, #tpu.memory_space<vmem>>) target_semaphore(%arg11 : memref<!tpu.dma_semaphore, #tpu.memory_space<semaphore_mem>>)
    %run_scoped3A = arith.constant 0 : i32
    "tpu.region"() ({
      %run_scoped3A_56 = tpu.sem_alloc : memref<!tpu.dma_semaphore, #tpu.memory_space<semaphore_mem>>
      %dma_start3A_57 = arith.constant 0 : i32
      %dma_start3A_58 = tpu.memref_slice %arg4[%run_scoped3A, %dma_start3A_57] : memref<1x3136xi32, #tpu.memory_space<hbm>> -> memref<1x3136xi32, #tpu.memory_space<hbm>>
      %dma_start3A_59 = tpu.memref_squeeze %dma_start3A_58 : memref<1x3136xi32, #tpu.memory_space<hbm>> -> memref<3136xi32, #tpu.memory_space<hbm>>
      %dma_start3A_60 = arith.constant 0 : i32
      %dma_start3A_61 = tpu.memref_slice %arg4[%run_scoped3A, %dma_start3A_60] : memref<1x3136xi32, #tpu.memory_space<hbm>> -> memref<1x3136xi32, #tpu.memory_space<hbm>>
      %dma_start3A_62 = tpu.memref_squeeze %dma_start3A_61 : memref<1x3136xi32, #tpu.memory_space<hbm>> -> memref<3136xi32, #tpu.memory_space<hbm>>
      tpu.enqueue_dma source(%dma_start3A_62 : memref<3136xi32, #tpu.memory_space<hbm>>) target(%arg7 : memref<3136xi32, #tpu.memory_space<vmem>>) target_semaphore(%run_scoped3A_56 : memref<!tpu.dma_semaphore, #tpu.memory_space<semaphore_mem>>)
      %dma_wait3A = arith.constant 0 : i32
      %dma_wait3A_63 = tpu.memref_slice %arg4[%run_scoped3A, %dma_wait3A] : memref<1x3136xi32, #tpu.memory_space<hbm>> -> memref<1x3136xi32, #tpu.memory_space<hbm>>
      %dma_wait3A_64 = tpu.memref_squeeze %dma_wait3A_63 : memref<1x3136xi32, #tpu.memory_space<hbm>> -> memref<3136xi32, #tpu.memory_space<hbm>>
      %dma_wait3A_65 = arith.constant 0 : i32
      %dma_wait3A_66 = tpu.memref_slice %arg4[%run_scoped3A, %dma_wait3A_65] : memref<1x3136xi32, #tpu.memory_space<hbm>> -> memref<1x3136xi32, #tpu.memory_space<hbm>>
      %dma_wait3A_67 = tpu.memref_squeeze %dma_wait3A_66 : memref<1x3136xi32, #tpu.memory_space<hbm>> -> memref<3136xi32, #tpu.memory_space<hbm>>
      tpu.wait_dma2 semaphore(%run_scoped3A_56 : memref<!tpu.dma_semaphore, #tpu.memory_space<semaphore_mem>>) src(%dma_wait3A_67 : memref<3136xi32, #tpu.memory_space<hbm>>) dst(%arg7 : memref<3136xi32, #tpu.memory_space<vmem>>)
      tpu.yield
    }) : () -> ()
    %broadcast_in_dim3A = arith.constant 0 : i32
    %broadcast_in_dim3A_20 = vector.broadcast %broadcast_in_dim3A : i32 to vector<16xi32>
    %parallel_loop3A = arith.constant 0 : i32
    %parallel_loop3A_21 = arith.constant 6272 : i32
    %parallel_loop3A_22 = arith.constant 1 : i32
    scf.for %parallel_loop3A_56 = %parallel_loop3A to %parallel_loop3A_21 step %parallel_loop3A_22  : i32 {
      %parallel_loop3A_57 = arith.constant 16 : i32
      %parallel_loop3A_58 = arith.muli %parallel_loop3A_56, %parallel_loop3A_57 : i32
      %parallel_loop3A_59 = arith.index_cast %parallel_loop3A_58 : i32 to index
      %parallel_loop3A_60 = tpu.vector_load %arg6[%parallel_loop3A_59] {strides = array<i32>} : memref<100352xi32, #tpu.memory_space<vmem>>, vector<16xi32>,
      tpu.vector_store %arg6[%parallel_loop3A_59], %broadcast_in_dim3A_20 {strides = array<i32>} : memref<100352xi32, #tpu.memory_space<vmem>>, vector<16xi32>,
    } {sc.loop_unroll_factor = 16 : i64, sc.parallel_access}
    %broadcast_in_dim3A_23 = arith.constant 1 : i32
    %broadcast_in_dim3A_24 = vector.broadcast %broadcast_in_dim3A_23 : i32 to vector<16xi32>
    %scan3A = arith.constant 0 : i32
    %scan3A_25 = arith.constant 0 : i32
    %scan3A_26 = arith.constant 20 : i32
    %scan3A_27 = arith.addi %scan3A_25, %scan3A_26 : i32
    %scan3A_28 = arith.constant 1 : i32
    %scan3A_29 = scf.for %scan3A_56 = %scan3A_25 to %scan3A_27 step %scan3A_28 iter_args(%scan3A_57 = %scan3A) -> (i32)  : i32 {
      %mul3A_58 = arith.constant 2 : i32
      %mul3A_59 = arith.muli %mul3A_58, %scan3A_56 : i32
      %lt3A_60 = arith.cmpi slt, %mul3A_59, %add3A_4 : i32
      %convert_element_type3A = arith.extui %lt3A_60 : i1 to i32
      %cond3A = arith.constant 0 : i32
      %cond3A_61 = arith.cmpi ne, %convert_element_type3A, %cond3A : i32
      scf.if %cond3A_61 {
        %dma_wait3A = arith.constant 0 : i32
        %dma_wait3A_81 = arith.constant 0 : i32
        %dma_wait3A_82 = tpu.memref_slice %arg2[%dma_wait3A, %dma_wait3A_81] : memref<2x3200000xi32, #tpu.memory_space<hbm>> -> memref<2x2560xi32, #tpu.memory_space<hbm>>
        %dma_wait3A_83 = arith.constant 0 : i32
        %dma_wait3A_84 = arith.constant 0 : i32
        %dma_wait3A_85 = tpu.memref_slice %arg2[%dma_wait3A_83, %dma_wait3A_84] : memref<2x3200000xi32, #tpu.memory_space<hbm>> -> memref<2x2560xi32, #tpu.memory_space<hbm>>
        tpu.wait_dma2 semaphore(%arg10 : memref<!tpu.dma_semaphore, #tpu.memory_space<semaphore_mem>>) src(%dma_wait3A_85 : memref<2x2560xi32, #tpu.memory_space<hbm>>) dst(%arg8 : memref<2x2560xi32, #tpu.memory_space<vmem>>)
        %parallel_loop3A_86 = arith.constant 0 : i32
        %parallel_loop3A_87 = arith.constant 160 : i32
        %parallel_loop3A_88 = arith.constant 1 : i32
        scf.for %parallel_loop3A_89 = %parallel_loop3A_86 to %parallel_loop3A_87 step %parallel_loop3A_88  : i32 {
          %parallel_loop3A_90 = arith.constant 16 : i32
          %parallel_loop3A_91 = arith.muli %parallel_loop3A_89, %parallel_loop3A_90 : i32
          %parallel_loop3A_92 = arith.constant 1 : i32
          %parallel_loop3A_93 = arith.index_cast %parallel_loop3A_92 : i32 to index
          %parallel_loop3A_94 = arith.index_cast %parallel_loop3A_91 : i32 to index
          %parallel_loop3A_95 = tpu.vector_load %arg8[%parallel_loop3A_93, %parallel_loop3A_94] {strides = array<i32>} : memref<2x2560xi32, #tpu.memory_space<vmem>>, vector<16xi32>,
          %parallel_loop3A_96 = arith.constant 16 : i32
          %parallel_loop3A_97 = arith.muli %parallel_loop3A_89, %parallel_loop3A_96 : i32
          %parallel_loop3A_98 = arith.constant 0 : i32
          %parallel_loop3A_99 = arith.index_cast %parallel_loop3A_98 : i32 to index
          %parallel_loop3A_100 = arith.index_cast %parallel_loop3A_97 : i32 to index
          %parallel_loop3A_101 = tpu.vector_load %arg8[%parallel_loop3A_99, %parallel_loop3A_100] {strides = array<i32>} : memref<2x2560xi32, #tpu.memory_space<vmem>>, vector<16xi32>,
          %parallel_loop3A_102 = arith.constant 5 : i32
          %parallel_loop3A_103 = vector.broadcast %parallel_loop3A_102 : i32 to vector<16xi32>
          %parallel_loop3A_104 = arith.shrui %parallel_loop3A_95, %parallel_loop3A_103 : vector<16xi32>
          %parallel_loop3A_105 = tpu.vector_load_idx %arg7[%parallel_loop3A_104] : memref<3136xi32, #tpu.memory_space<vmem>>[vector<16xi32>], vector<16xi32>,
          %parallel_loop3A_106 = arith.constant 31 : i32
          %parallel_loop3A_107 = vector.broadcast %parallel_loop3A_106 : i32 to vector<16xi32>
          %parallel_loop3A_108 = arith.andi %parallel_loop3A_95, %parallel_loop3A_107 : vector<16xi32>
          %parallel_loop3A_109 = arith.shrui %parallel_loop3A_105, %parallel_loop3A_108 : vector<16xi32>
          %parallel_loop3A_110 = arith.constant 1 : i32
          %parallel_loop3A_111 = vector.broadcast %parallel_loop3A_110 : i32 to vector<16xi32>
          %parallel_loop3A_112 = arith.andi %parallel_loop3A_109, %parallel_loop3A_111 : vector<16xi32>
          %parallel_loop3A_113 = arith.constant 1 : i32
          %parallel_loop3A_114 = vector.broadcast %parallel_loop3A_113 : i32 to vector<16xi32>
          %parallel_loop3A_115 = arith.cmpi eq, %parallel_loop3A_112, %parallel_loop3A_114 : vector<16xi32>
          tpu.vector_store_idx %arg6[%parallel_loop3A_101], %broadcast_in_dim3A_24 masked %parallel_loop3A_115 {add = true} : memref<100352xi32, #tpu.memory_space<vmem>>[vector<16xi32>], vector<16xi32>, vector<16xi1>
        } {sc.loop_unroll_factor = 16 : i64, sc.parallel_access}
      } else {
      }
      %add3A_62 = arith.constant 2 : i32
      %add3A_63 = arith.addi %mul3A_59, %add3A_62 : i32
      %lt3A_64 = arith.cmpi slt, %add3A_63, %add3A_4 : i32
      %convert_element_type3A_65 = arith.extui %lt3A_64 : i1 to i32
      %cond3A_66 = arith.constant 0 : i32
      %cond3A_67 = arith.cmpi ne, %convert_element_type3A_65, %cond3A_66 : i32
      scf.if %cond3A_67 {
        %add3A_81 = arith.constant 2 : i32
        %add3A_82 = arith.addi %mul3A_59, %add3A_81 : i32
        %mul3A_83 = arith.constant 32 : i32
        %mul3A_84 = arith.muli %add3A_82, %mul3A_83 : i32
        %add3A_85 = arith.addi %add3A, %mul3A_84 : i32
        %mul3A_86 = arith.constant 2560 : i32
        %mul3A_87 = arith.muli %add3A_85, %mul3A_86 : i32
        %dma_start3A_88 = arith.constant 0 : i32
        %dma_start3A_89 = tpu.memref_slice %arg2[%dma_start3A_88, %mul3A_87] : memref<2x3200000xi32, #tpu.memory_space<hbm>> -> memref<2x2560xi32, #tpu.memory_space<hbm>>
        %dma_start3A_90 = arith.constant 0 : i32
        %dma_start3A_91 = tpu.memref_slice %arg2[%dma_start3A_90, %mul3A_87] : memref<2x3200000xi32, #tpu.memory_space<hbm>> -> memref<2x2560xi32, #tpu.memory_space<hbm>>
        tpu.enqueue_dma source(%dma_start3A_91 : memref<2x2560xi32, #tpu.memory_space<hbm>>) target(%arg8 : memref<2x2560xi32, #tpu.memory_space<vmem>>) target_semaphore(%arg10 : memref<!tpu.dma_semaphore, #tpu.memory_space<semaphore_mem>>)
      } else {
      }
      %add3A_68 = arith.constant 1 : i32
      %add3A_69 = arith.addi %mul3A_59, %add3A_68 : i32
      %lt3A_70 = arith.cmpi slt, %add3A_69, %add3A_4 : i32
      %convert_element_type3A_71 = arith.extui %lt3A_70 : i1 to i32
      %cond3A_72 = arith.constant 0 : i32
      %cond3A_73 = arith.cmpi ne, %convert_element_type3A_71, %cond3A_72 : i32
      scf.if %cond3A_73 {
        %dma_wait3A = arith.constant 0 : i32
        %dma_wait3A_81 = arith.constant 0 : i32
        %dma_wait3A_82 = tpu.memref_slice %arg2[%dma_wait3A, %dma_wait3A_81] : memref<2x3200000xi32, #tpu.memory_space<hbm>> -> memref<2x2560xi32, #tpu.memory_space<hbm>>
        %dma_wait3A_83 = arith.constant 0 : i32
        %dma_wait3A_84 = arith.constant 0 : i32
        %dma_wait3A_85 = tpu.memref_slice %arg2[%dma_wait3A_83, %dma_wait3A_84] : memref<2x3200000xi32, #tpu.memory_space<hbm>> -> memref<2x2560xi32, #tpu.memory_space<hbm>>
        tpu.wait_dma2 semaphore(%arg11 : memref<!tpu.dma_semaphore, #tpu.memory_space<semaphore_mem>>) src(%dma_wait3A_85 : memref<2x2560xi32, #tpu.memory_space<hbm>>) dst(%arg9 : memref<2x2560xi32, #tpu.memory_space<vmem>>)
        %parallel_loop3A_86 = arith.constant 0 : i32
        %parallel_loop3A_87 = arith.constant 160 : i32
        %parallel_loop3A_88 = arith.constant 1 : i32
        scf.for %parallel_loop3A_89 = %parallel_loop3A_86 to %parallel_loop3A_87 step %parallel_loop3A_88  : i32 {
          %parallel_loop3A_90 = arith.constant 16 : i32
          %parallel_loop3A_91 = arith.muli %parallel_loop3A_89, %parallel_loop3A_90 : i32
          %parallel_loop3A_92 = arith.constant 1 : i32
          %parallel_loop3A_93 = arith.index_cast %parallel_loop3A_92 : i32 to index
          %parallel_loop3A_94 = arith.index_cast %parallel_loop3A_91 : i32 to index
          %parallel_loop3A_95 = tpu.vector_load %arg9[%parallel_loop3A_93, %parallel_loop3A_94] {strides = array<i32>} : memref<2x2560xi32, #tpu.memory_space<vmem>>, vector<16xi32>,
          %parallel_loop3A_96 = arith.constant 16 : i32
          %parallel_loop3A_97 = arith.muli %parallel_loop3A_89, %parallel_loop3A_96 : i32
          %parallel_loop3A_98 = arith.constant 0 : i32
          %parallel_loop3A_99 = arith.index_cast %parallel_loop3A_98 : i32 to index
          %parallel_loop3A_100 = arith.index_cast %parallel_loop3A_97 : i32 to index
          %parallel_loop3A_101 = tpu.vector_load %arg9[%parallel_loop3A_99, %parallel_loop3A_100] {strides = array<i32>} : memref<2x2560xi32, #tpu.memory_space<vmem>>, vector<16xi32>,
          %parallel_loop3A_102 = arith.constant 5 : i32
          %parallel_loop3A_103 = vector.broadcast %parallel_loop3A_102 : i32 to vector<16xi32>
          %parallel_loop3A_104 = arith.shrui %parallel_loop3A_95, %parallel_loop3A_103 : vector<16xi32>
          %parallel_loop3A_105 = tpu.vector_load_idx %arg7[%parallel_loop3A_104] : memref<3136xi32, #tpu.memory_space<vmem>>[vector<16xi32>], vector<16xi32>,
          %parallel_loop3A_106 = arith.constant 31 : i32
          %parallel_loop3A_107 = vector.broadcast %parallel_loop3A_106 : i32 to vector<16xi32>
          %parallel_loop3A_108 = arith.andi %parallel_loop3A_95, %parallel_loop3A_107 : vector<16xi32>
          %parallel_loop3A_109 = arith.shrui %parallel_loop3A_105, %parallel_loop3A_108 : vector<16xi32>
          %parallel_loop3A_110 = arith.constant 1 : i32
          %parallel_loop3A_111 = vector.broadcast %parallel_loop3A_110 : i32 to vector<16xi32>
          %parallel_loop3A_112 = arith.andi %parallel_loop3A_109, %parallel_loop3A_111 : vector<16xi32>
          %parallel_loop3A_113 = arith.constant 1 : i32
          %parallel_loop3A_114 = vector.broadcast %parallel_loop3A_113 : i32 to vector<16xi32>
          %parallel_loop3A_115 = arith.cmpi eq, %parallel_loop3A_112, %parallel_loop3A_114 : vector<16xi32>
          tpu.vector_store_idx %arg6[%parallel_loop3A_101], %broadcast_in_dim3A_24 masked %parallel_loop3A_115 {add = true} : memref<100352xi32, #tpu.memory_space<vmem>>[vector<16xi32>], vector<16xi32>, vector<16xi1>
        } {sc.loop_unroll_factor = 16 : i64, sc.parallel_access}
      } else {
      }
      %add3A_74 = arith.constant 3 : i32
      %add3A_75 = arith.addi %mul3A_59, %add3A_74 : i32
      %lt3A_76 = arith.cmpi slt, %add3A_75, %add3A_4 : i32
      %convert_element_type3A_77 = arith.extui %lt3A_76 : i1 to i32
      %cond3A_78 = arith.constant 0 : i32
      %cond3A_79 = arith.cmpi ne, %convert_element_type3A_77, %cond3A_78 : i32
      scf.if %cond3A_79 {
        %add3A_81 = arith.constant 3 : i32
        %add3A_82 = arith.addi %mul3A_59, %add3A_81 : i32
        %mul3A_83 = arith.constant 32 : i32
        %mul3A_84 = arith.muli %add3A_82, %mul3A_83 : i32
        %add3A_85 = arith.addi %add3A, %mul3A_84 : i32
        %mul3A_86 = arith.constant 2560 : i32
        %mul3A_87 = arith.muli %add3A_85, %mul3A_86 : i32
        %dma_start3A_88 = arith.constant 0 : i32
        %dma_start3A_89 = tpu.memref_slice %arg2[%dma_start3A_88, %mul3A_87] : memref<2x3200000xi32, #tpu.memory_space<hbm>> -> memref<2x2560xi32, #tpu.memory_space<hbm>>
        %dma_start3A_90 = arith.constant 0 : i32
        %dma_start3A_91 = tpu.memref_slice %arg2[%dma_start3A_90, %mul3A_87] : memref<2x3200000xi32, #tpu.memory_space<hbm>> -> memref<2x2560xi32, #tpu.memory_space<hbm>>
        tpu.enqueue_dma source(%dma_start3A_91 : memref<2x2560xi32, #tpu.memory_space<hbm>>) target(%arg9 : memref<2x2560xi32, #tpu.memory_space<vmem>>) target_semaphore(%arg11 : memref<!tpu.dma_semaphore, #tpu.memory_space<semaphore_mem>>)
      } else {
      }
      %scan3A_80 = arith.constant 0 : i32
      scf.yield %scan3A_80 : i32
    }
    %scan3A_30 = arith.constant 20 : i32
    %add3A_31 = arith.constant 0 : i32
    %add3A_32 = arith.addi %add3A, %add3A_31 : i32
    %mul3A_33 = arith.constant 2560 : i32
    %mul3A_34 = arith.muli %add3A_32, %mul3A_33 : i32
    %dma_start3A_35 = arith.constant 0 : i32
    %dma_start3A_36 = tpu.memref_slice %arg3[%dma_start3A_35, %mul3A_34] : memref<2x3200000xi32, #tpu.memory_space<hbm>> -> memref<2x2560xi32, #tpu.memory_space<hbm>>
    %dma_start3A_37 = arith.constant 0 : i32
    %dma_start3A_38 = tpu.memref_slice %arg3[%dma_start3A_37, %mul3A_34] : memref<2x3200000xi32, #tpu.memory_space<hbm>> -> memref<2x2560xi32, #tpu.memory_space<hbm>>
    tpu.enqueue_dma source(%dma_start3A_38 : memref<2x2560xi32, #tpu.memory_space<hbm>>) target(%arg8 : memref<2x2560xi32, #tpu.memory_space<vmem>>) target_semaphore(%arg10 : memref<!tpu.dma_semaphore, #tpu.memory_space<semaphore_mem>>)
    %add3A_39 = arith.constant 32 : i32
    %add3A_40 = arith.addi %add3A, %add3A_39 : i32
    %mul3A_41 = arith.constant 2560 : i32
    %mul3A_42 = arith.muli %add3A_40, %mul3A_41 : i32
    %dma_start3A_43 = arith.constant 0 : i32
    %dma_start3A_44 = tpu.memref_slice %arg3[%dma_start3A_43, %mul3A_42] : memref<2x3200000xi32, #tpu.memory_space<hbm>> -> memref<2x2560xi32, #tpu.memory_space<hbm>>
    %dma_start3A_45 = arith.constant 0 : i32
    %dma_start3A_46 = tpu.memref_slice %arg3[%dma_start3A_45, %mul3A_42] : memref<2x3200000xi32, #tpu.memory_space<hbm>> -> memref<2x2560xi32, #tpu.memory_space<hbm>>
    tpu.enqueue_dma source(%dma_start3A_46 : memref<2x2560xi32, #tpu.memory_space<hbm>>) target(%arg9 : memref<2x2560xi32, #tpu.memory_space<vmem>>) target_semaphore(%arg11 : memref<!tpu.dma_semaphore, #tpu.memory_space<semaphore_mem>>)
    %scan3A_47 = arith.constant 0 : i32
    %scan3A_48 = arith.constant 0 : i32
    %scan3A_49 = arith.constant 20 : i32
    %scan3A_50 = arith.addi %scan3A_48, %scan3A_49 : i32
    %scan3A_51 = arith.constant 1 : i32
    %scan3A_52 = scf.for %scan3A_56 = %scan3A_48 to %scan3A_50 step %scan3A_51 iter_args(%scan3A_57 = %scan3A_47) -> (i32)  : i32 {
      %mul3A_58 = arith.constant 2 : i32
      %mul3A_59 = arith.muli %mul3A_58, %scan3A_56 : i32
      %lt3A_60 = arith.cmpi slt, %mul3A_59, %add3A_4 : i32
      %convert_element_type3A = arith.extui %lt3A_60 : i1 to i32
      %cond3A = arith.constant 0 : i32
      %cond3A_61 = arith.cmpi ne, %convert_element_type3A, %cond3A : i32
      scf.if %cond3A_61 {
        %dma_wait3A = arith.constant 0 : i32
        %dma_wait3A_81 = arith.constant 0 : i32
        %dma_wait3A_82 = tpu.memref_slice %arg3[%dma_wait3A, %dma_wait3A_81] : memref<2x3200000xi32, #tpu.memory_space<hbm>> -> memref<2x2560xi32, #tpu.memory_space<hbm>>
        %dma_wait3A_83 = arith.constant 0 : i32
        %dma_wait3A_84 = arith.constant 0 : i32
        %dma_wait3A_85 = tpu.memref_slice %arg3[%dma_wait3A_83, %dma_wait3A_84] : memref<2x3200000xi32, #tpu.memory_space<hbm>> -> memref<2x2560xi32, #tpu.memory_space<hbm>>
        tpu.wait_dma2 semaphore(%arg10 : memref<!tpu.dma_semaphore, #tpu.memory_space<semaphore_mem>>) src(%dma_wait3A_85 : memref<2x2560xi32, #tpu.memory_space<hbm>>) dst(%arg8 : memref<2x2560xi32, #tpu.memory_space<vmem>>)
        %parallel_loop3A_86 = arith.constant 0 : i32
        %parallel_loop3A_87 = arith.constant 160 : i32
        %parallel_loop3A_88 = arith.constant 1 : i32
        scf.for %parallel_loop3A_89 = %parallel_loop3A_86 to %parallel_loop3A_87 step %parallel_loop3A_88  : i32 {
          %parallel_loop3A_90 = arith.constant 16 : i32
          %parallel_loop3A_91 = arith.muli %parallel_loop3A_89, %parallel_loop3A_90 : i32
          %parallel_loop3A_92 = arith.constant 1 : i32
          %parallel_loop3A_93 = arith.index_cast %parallel_loop3A_92 : i32 to index
          %parallel_loop3A_94 = arith.index_cast %parallel_loop3A_91 : i32 to index
          %parallel_loop3A_95 = tpu.vector_load %arg8[%parallel_loop3A_93, %parallel_loop3A_94] {strides = array<i32>} : memref<2x2560xi32, #tpu.memory_space<vmem>>, vector<16xi32>,
          %parallel_loop3A_96 = arith.constant 16 : i32
          %parallel_loop3A_97 = arith.muli %parallel_loop3A_89, %parallel_loop3A_96 : i32
          %parallel_loop3A_98 = arith.constant 0 : i32
          %parallel_loop3A_99 = arith.index_cast %parallel_loop3A_98 : i32 to index
          %parallel_loop3A_100 = arith.index_cast %parallel_loop3A_97 : i32 to index
          %parallel_loop3A_101 = tpu.vector_load %arg8[%parallel_loop3A_99, %parallel_loop3A_100] {strides = array<i32>} : memref<2x2560xi32, #tpu.memory_space<vmem>>, vector<16xi32>,
          %parallel_loop3A_102 = arith.constant 5 : i32
          %parallel_loop3A_103 = vector.broadcast %parallel_loop3A_102 : i32 to vector<16xi32>
          %parallel_loop3A_104 = arith.shrui %parallel_loop3A_95, %parallel_loop3A_103 : vector<16xi32>
          %parallel_loop3A_105 = tpu.vector_load_idx %arg7[%parallel_loop3A_104] : memref<3136xi32, #tpu.memory_space<vmem>>[vector<16xi32>], vector<16xi32>,
          %parallel_loop3A_106 = arith.constant 31 : i32
          %parallel_loop3A_107 = vector.broadcast %parallel_loop3A_106 : i32 to vector<16xi32>
          %parallel_loop3A_108 = arith.andi %parallel_loop3A_95, %parallel_loop3A_107 : vector<16xi32>
          %parallel_loop3A_109 = arith.shrui %parallel_loop3A_105, %parallel_loop3A_108 : vector<16xi32>
          %parallel_loop3A_110 = arith.constant 1 : i32
          %parallel_loop3A_111 = vector.broadcast %parallel_loop3A_110 : i32 to vector<16xi32>
          %parallel_loop3A_112 = arith.andi %parallel_loop3A_109, %parallel_loop3A_111 : vector<16xi32>
          %parallel_loop3A_113 = arith.constant 0 : i32
          %parallel_loop3A_114 = vector.broadcast %parallel_loop3A_113 : i32 to vector<16xi32>
          %parallel_loop3A_115 = arith.cmpi eq, %parallel_loop3A_112, %parallel_loop3A_114 : vector<16xi32>
          tpu.vector_store_idx %arg6[%parallel_loop3A_101], %broadcast_in_dim3A_24 masked %parallel_loop3A_115 {add = true} : memref<100352xi32, #tpu.memory_space<vmem>>[vector<16xi32>], vector<16xi32>, vector<16xi1>
        } {sc.loop_unroll_factor = 16 : i64, sc.parallel_access}
      } else {
      }
      %add3A_62 = arith.constant 2 : i32
      %add3A_63 = arith.addi %mul3A_59, %add3A_62 : i32
      %lt3A_64 = arith.cmpi slt, %add3A_63, %add3A_4 : i32
      %convert_element_type3A_65 = arith.extui %lt3A_64 : i1 to i32
      %cond3A_66 = arith.constant 0 : i32
      %cond3A_67 = arith.cmpi ne, %convert_element_type3A_65, %cond3A_66 : i32
      scf.if %cond3A_67 {
        %add3A_81 = arith.constant 2 : i32
        %add3A_82 = arith.addi %mul3A_59, %add3A_81 : i32
        %mul3A_83 = arith.constant 32 : i32
        %mul3A_84 = arith.muli %add3A_82, %mul3A_83 : i32
        %add3A_85 = arith.addi %add3A, %mul3A_84 : i32
        %mul3A_86 = arith.constant 2560 : i32
        %mul3A_87 = arith.muli %add3A_85, %mul3A_86 : i32
        %dma_start3A_88 = arith.constant 0 : i32
        %dma_start3A_89 = tpu.memref_slice %arg3[%dma_start3A_88, %mul3A_87] : memref<2x3200000xi32, #tpu.memory_space<hbm>> -> memref<2x2560xi32, #tpu.memory_space<hbm>>
        %dma_start3A_90 = arith.constant 0 : i32
        %dma_start3A_91 = tpu.memref_slice %arg3[%dma_start3A_90, %mul3A_87] : memref<2x3200000xi32, #tpu.memory_space<hbm>> -> memref<2x2560xi32, #tpu.memory_space<hbm>>
        tpu.enqueue_dma source(%dma_start3A_91 : memref<2x2560xi32, #tpu.memory_space<hbm>>) target(%arg8 : memref<2x2560xi32, #tpu.memory_space<vmem>>) target_semaphore(%arg10 : memref<!tpu.dma_semaphore, #tpu.memory_space<semaphore_mem>>)
      } else {
      }
      %add3A_68 = arith.constant 1 : i32
      %add3A_69 = arith.addi %mul3A_59, %add3A_68 : i32
      %lt3A_70 = arith.cmpi slt, %add3A_69, %add3A_4 : i32
      %convert_element_type3A_71 = arith.extui %lt3A_70 : i1 to i32
      %cond3A_72 = arith.constant 0 : i32
      %cond3A_73 = arith.cmpi ne, %convert_element_type3A_71, %cond3A_72 : i32
      scf.if %cond3A_73 {
        %dma_wait3A = arith.constant 0 : i32
        %dma_wait3A_81 = arith.constant 0 : i32
        %dma_wait3A_82 = tpu.memref_slice %arg3[%dma_wait3A, %dma_wait3A_81] : memref<2x3200000xi32, #tpu.memory_space<hbm>> -> memref<2x2560xi32, #tpu.memory_space<hbm>>
        %dma_wait3A_83 = arith.constant 0 : i32
        %dma_wait3A_84 = arith.constant 0 : i32
        %dma_wait3A_85 = tpu.memref_slice %arg3[%dma_wait3A_83, %dma_wait3A_84] : memref<2x3200000xi32, #tpu.memory_space<hbm>> -> memref<2x2560xi32, #tpu.memory_space<hbm>>
        tpu.wait_dma2 semaphore(%arg11 : memref<!tpu.dma_semaphore, #tpu.memory_space<semaphore_mem>>) src(%dma_wait3A_85 : memref<2x2560xi32, #tpu.memory_space<hbm>>) dst(%arg9 : memref<2x2560xi32, #tpu.memory_space<vmem>>)
        %parallel_loop3A_86 = arith.constant 0 : i32
        %parallel_loop3A_87 = arith.constant 160 : i32
        %parallel_loop3A_88 = arith.constant 1 : i32
        scf.for %parallel_loop3A_89 = %parallel_loop3A_86 to %parallel_loop3A_87 step %parallel_loop3A_88  : i32 {
          %parallel_loop3A_90 = arith.constant 16 : i32
          %parallel_loop3A_91 = arith.muli %parallel_loop3A_89, %parallel_loop3A_90 : i32
          %parallel_loop3A_92 = arith.constant 1 : i32
          %parallel_loop3A_93 = arith.index_cast %parallel_loop3A_92 : i32 to index
          %parallel_loop3A_94 = arith.index_cast %parallel_loop3A_91 : i32 to index
          %parallel_loop3A_95 = tpu.vector_load %arg9[%parallel_loop3A_93, %parallel_loop3A_94] {strides = array<i32>} : memref<2x2560xi32, #tpu.memory_space<vmem>>, vector<16xi32>,
          %parallel_loop3A_96 = arith.constant 16 : i32
          %parallel_loop3A_97 = arith.muli %parallel_loop3A_89, %parallel_loop3A_96 : i32
          %parallel_loop3A_98 = arith.constant 0 : i32
          %parallel_loop3A_99 = arith.index_cast %parallel_loop3A_98 : i32 to index
          %parallel_loop3A_100 = arith.index_cast %parallel_loop3A_97 : i32 to index
          %parallel_loop3A_101 = tpu.vector_load %arg9[%parallel_loop3A_99, %parallel_loop3A_100] {strides = array<i32>} : memref<2x2560xi32, #tpu.memory_space<vmem>>, vector<16xi32>,
          %parallel_loop3A_102 = arith.constant 5 : i32
          %parallel_loop3A_103 = vector.broadcast %parallel_loop3A_102 : i32 to vector<16xi32>
          %parallel_loop3A_104 = arith.shrui %parallel_loop3A_95, %parallel_loop3A_103 : vector<16xi32>
          %parallel_loop3A_105 = tpu.vector_load_idx %arg7[%parallel_loop3A_104] : memref<3136xi32, #tpu.memory_space<vmem>>[vector<16xi32>], vector<16xi32>,
          %parallel_loop3A_106 = arith.constant 31 : i32
          %parallel_loop3A_107 = vector.broadcast %parallel_loop3A_106 : i32 to vector<16xi32>
          %parallel_loop3A_108 = arith.andi %parallel_loop3A_95, %parallel_loop3A_107 : vector<16xi32>
          %parallel_loop3A_109 = arith.shrui %parallel_loop3A_105, %parallel_loop3A_108 : vector<16xi32>
          %parallel_loop3A_110 = arith.constant 1 : i32
          %parallel_loop3A_111 = vector.broadcast %parallel_loop3A_110 : i32 to vector<16xi32>
          %parallel_loop3A_112 = arith.andi %parallel_loop3A_109, %parallel_loop3A_111 : vector<16xi32>
          %parallel_loop3A_113 = arith.constant 0 : i32
          %parallel_loop3A_114 = vector.broadcast %parallel_loop3A_113 : i32 to vector<16xi32>
          %parallel_loop3A_115 = arith.cmpi eq, %parallel_loop3A_112, %parallel_loop3A_114 : vector<16xi32>
          tpu.vector_store_idx %arg6[%parallel_loop3A_101], %broadcast_in_dim3A_24 masked %parallel_loop3A_115 {add = true} : memref<100352xi32, #tpu.memory_space<vmem>>[vector<16xi32>], vector<16xi32>, vector<16xi1>
        } {sc.loop_unroll_factor = 16 : i64, sc.parallel_access}
      } else {
      }
      %add3A_74 = arith.constant 3 : i32
      %add3A_75 = arith.addi %mul3A_59, %add3A_74 : i32
      %lt3A_76 = arith.cmpi slt, %add3A_75, %add3A_4 : i32
      %convert_element_type3A_77 = arith.extui %lt3A_76 : i1 to i32
      %cond3A_78 = arith.constant 0 : i32
      %cond3A_79 = arith.cmpi ne, %convert_element_type3A_77, %cond3A_78 : i32
      scf.if %cond3A_79 {
        %add3A_81 = arith.constant 3 : i32
        %add3A_82 = arith.addi %mul3A_59, %add3A_81 : i32
        %mul3A_83 = arith.constant 32 : i32
        %mul3A_84 = arith.muli %add3A_82, %mul3A_83 : i32
        %add3A_85 = arith.addi %add3A, %mul3A_84 : i32
        %mul3A_86 = arith.constant 2560 : i32
        %mul3A_87 = arith.muli %add3A_85, %mul3A_86 : i32
        %dma_start3A_88 = arith.constant 0 : i32
        %dma_start3A_89 = tpu.memref_slice %arg3[%dma_start3A_88, %mul3A_87] : memref<2x3200000xi32, #tpu.memory_space<hbm>> -> memref<2x2560xi32, #tpu.memory_space<hbm>>
        %dma_start3A_90 = arith.constant 0 : i32
        %dma_start3A_91 = tpu.memref_slice %arg3[%dma_start3A_90, %mul3A_87] : memref<2x3200000xi32, #tpu.memory_space<hbm>> -> memref<2x2560xi32, #tpu.memory_space<hbm>>
        tpu.enqueue_dma source(%dma_start3A_91 : memref<2x2560xi32, #tpu.memory_space<hbm>>) target(%arg9 : memref<2x2560xi32, #tpu.memory_space<vmem>>) target_semaphore(%arg11 : memref<!tpu.dma_semaphore, #tpu.memory_space<semaphore_mem>>)
      } else {
      }
      %scan3A_80 = arith.constant 0 : i32
      scf.yield %scan3A_80 : i32
    }
    %scan3A_53 = arith.constant 20 : i32
    %mul3A_54 = arith.constant 100352 : i32
    %mul3A_55 = arith.muli %add3A, %mul3A_54 : i32
    "tpu.region"() ({
      %run_scoped3A_56 = tpu.sem_alloc : memref<!tpu.dma_semaphore, #tpu.memory_space<semaphore_mem>>
      %dma_start3A_57 = tpu.memref_slice %arg5[%mul3A_55] : memref<3211264xi32, #tpu.memory_space<hbm>> -> memref<100352xi32, #tpu.memory_space<hbm>>
      %dma_start3A_58 = tpu.memref_slice %arg5[%mul3A_55] : memref<3211264xi32, #tpu.memory_space<hbm>> -> memref<100352xi32, #tpu.memory_space<hbm>>
      tpu.enqueue_dma source(%arg6 : memref<100352xi32, #tpu.memory_space<vmem>>) target(%dma_start3A_58 : memref<100352xi32, #tpu.memory_space<hbm>>) target_semaphore(%run_scoped3A_56 : memref<!tpu.dma_semaphore, #tpu.memory_space<semaphore_mem>>)
      %dma_wait3A = tpu.memref_slice %arg5[%mul3A_55] : memref<3211264xi32, #tpu.memory_space<hbm>> -> memref<100352xi32, #tpu.memory_space<hbm>>
      %dma_wait3A_59 = tpu.memref_slice %arg5[%mul3A_55] : memref<3211264xi32, #tpu.memory_space<hbm>> -> memref<100352xi32, #tpu.memory_space<hbm>>
      tpu.wait_dma2 semaphore(%run_scoped3A_56 : memref<!tpu.dma_semaphore, #tpu.memory_space<semaphore_mem>>) src(%arg6 : memref<100352xi32, #tpu.memory_space<vmem>>) dst(%dma_wait3A_59 : memref<100352xi32, #tpu.memory_space<hbm>>)
      tpu.yield
    }) : () -> ()
    return
  }
}

module attributes {stable_mosaic.version = 14 : i64} {
  func.func @_pack_body(%arg0: memref<32x3136xf32, #tpu.memory_space<vmem>>, %arg1: memref<1x3136xi32, #tpu.memory_space<vmem>>) attributes {dimension_semantics = [], scalar_prefetch = 0 : i64, scratch_operands = 0 : i64, tpu.core_type = #tpu.core_type<tc>} {
    %get3A = arith.constant 0 : index
    %get3A_0 = arith.constant 0 : index
    %get3A_1 = vector.load %arg0[%get3A, %get3A_0] : memref<32x3136xf32, #tpu.memory_space<vmem>>, vector<32x3136xf32>
    %iota3A = tpu.iota {dimensions = array<i32: 0>} : vector<32x3136xi32>
    %ge3A = arith.constant 5.000000e-01 : f32
    %ge3A_2 = vector.broadcast %ge3A : f32 to vector<32x3136xf32>
    %ge3A_3 = arith.cmpf oge, %get3A_1, %ge3A_2 : vector<32x3136xf32>
    %shift_left3A = arith.constant 1 : i32
    %shift_left3A_4 = vector.broadcast %shift_left3A : i32 to vector<32x3136xi32>
    %shift_left3A_5 = arith.shli %shift_left3A_4, %iota3A : vector<32x3136xi32>
    %jit3A = arith.constant 0 : i32
    %broadcast_in_dim3A = vector.broadcast %jit3A : i32 to vector<32x3136xi32>
    %select_n3A = arith.select %ge3A_3, %shift_left3A_5, %broadcast_in_dim3A : vector<32x3136xi1>, vector<32x3136xi32>
    %reduce_sum3A = arith.constant dense<0> : vector<3136xi32>
    %reduce_sum3A_6 = vector.multi_reduction <add>, %select_n3A, %reduce_sum3A [0] : vector<32x3136xi32> to vector<3136xi32>
    %broadcast_in_dim3A_7 = vector.shape_cast %reduce_sum3A_6 : vector<3136xi32> to vector<1x3136xi32>
    %swap3A = arith.constant 0 : index
    %swap3A_8 = arith.constant 0 : index
    %swap3A_9 = vector.load %arg1[%swap3A, %swap3A_8] : memref<1x3136xi32, #tpu.memory_space<vmem>>, vector<1x3136xi32>
    tpu.vector_store %arg1[%swap3A, %swap3A_8], %broadcast_in_dim3A_7 {strides = array<i32>} : memref<1x3136xi32, #tpu.memory_space<vmem>>, vector<1x3136xi32>,
    return
  }
}

module attributes {stable_mosaic.version = 14 : i64} {
  func.func @_reduce_body(%arg0: memref<3211264xi32, #tpu.memory_space<vmem>>, %arg1: memref<1x1xf32, #tpu.memory_space<smem>>) attributes {dimension_semantics = [], scalar_prefetch = 0 : i64, scratch_operands = 0 : i64, tpu.core_type = #tpu.core_type<tc>} {
    %get3A = arith.constant 0 : index
    %get3A_0 = vector.load %arg0[%get3A] : memref<3211264xi32, #tpu.memory_space<vmem>>, vector<100352xi32>
    %get3A_1 = arith.constant 100352 : index
    %get3A_2 = vector.load %arg0[%get3A_1] : memref<3211264xi32, #tpu.memory_space<vmem>>, vector<100352xi32>
    %add3A = arith.addi %get3A_0, %get3A_2 : vector<100352xi32>
    %get3A_3 = arith.constant 200704 : index
    %get3A_4 = vector.load %arg0[%get3A_3] : memref<3211264xi32, #tpu.memory_space<vmem>>, vector<100352xi32>
    %add3A_5 = arith.addi %add3A, %get3A_4 : vector<100352xi32>
    %get3A_6 = arith.constant 301056 : index
    %get3A_7 = vector.load %arg0[%get3A_6] : memref<3211264xi32, #tpu.memory_space<vmem>>, vector<100352xi32>
    %add3A_8 = arith.addi %add3A_5, %get3A_7 : vector<100352xi32>
    %get3A_9 = arith.constant 401408 : index
    %get3A_10 = vector.load %arg0[%get3A_9] : memref<3211264xi32, #tpu.memory_space<vmem>>, vector<100352xi32>
    %add3A_11 = arith.addi %add3A_8, %get3A_10 : vector<100352xi32>
    %get3A_12 = arith.constant 501760 : index
    %get3A_13 = vector.load %arg0[%get3A_12] : memref<3211264xi32, #tpu.memory_space<vmem>>, vector<100352xi32>
    %add3A_14 = arith.addi %add3A_11, %get3A_13 : vector<100352xi32>
    %get3A_15 = arith.constant 602112 : index
    %get3A_16 = vector.load %arg0[%get3A_15] : memref<3211264xi32, #tpu.memory_space<vmem>>, vector<100352xi32>
    %add3A_17 = arith.addi %add3A_14, %get3A_16 : vector<100352xi32>
    %get3A_18 = arith.constant 702464 : index
    %get3A_19 = vector.load %arg0[%get3A_18] : memref<3211264xi32, #tpu.memory_space<vmem>>, vector<100352xi32>
    %add3A_20 = arith.addi %add3A_17, %get3A_19 : vector<100352xi32>
    %get3A_21 = arith.constant 802816 : index
    %get3A_22 = vector.load %arg0[%get3A_21] : memref<3211264xi32, #tpu.memory_space<vmem>>, vector<100352xi32>
    %add3A_23 = arith.addi %add3A_20, %get3A_22 : vector<100352xi32>
    %get3A_24 = arith.constant 903168 : index
    %get3A_25 = vector.load %arg0[%get3A_24] : memref<3211264xi32, #tpu.memory_space<vmem>>, vector<100352xi32>
    %add3A_26 = arith.addi %add3A_23, %get3A_25 : vector<100352xi32>
    %get3A_27 = arith.constant 1003520 : index
    %get3A_28 = vector.load %arg0[%get3A_27] : memref<3211264xi32, #tpu.memory_space<vmem>>, vector<100352xi32>
    %add3A_29 = arith.addi %add3A_26, %get3A_28 : vector<100352xi32>
    %get3A_30 = arith.constant 1103872 : index
    %get3A_31 = vector.load %arg0[%get3A_30] : memref<3211264xi32, #tpu.memory_space<vmem>>, vector<100352xi32>
    %add3A_32 = arith.addi %add3A_29, %get3A_31 : vector<100352xi32>
    %get3A_33 = arith.constant 1204224 : index
    %get3A_34 = vector.load %arg0[%get3A_33] : memref<3211264xi32, #tpu.memory_space<vmem>>, vector<100352xi32>
    %add3A_35 = arith.addi %add3A_32, %get3A_34 : vector<100352xi32>
    %get3A_36 = arith.constant 1304576 : index
    %get3A_37 = vector.load %arg0[%get3A_36] : memref<3211264xi32, #tpu.memory_space<vmem>>, vector<100352xi32>
    %add3A_38 = arith.addi %add3A_35, %get3A_37 : vector<100352xi32>
    %get3A_39 = arith.constant 1404928 : index
    %get3A_40 = vector.load %arg0[%get3A_39] : memref<3211264xi32, #tpu.memory_space<vmem>>, vector<100352xi32>
    %add3A_41 = arith.addi %add3A_38, %get3A_40 : vector<100352xi32>
    %get3A_42 = arith.constant 1505280 : index
    %get3A_43 = vector.load %arg0[%get3A_42] : memref<3211264xi32, #tpu.memory_space<vmem>>, vector<100352xi32>
    %add3A_44 = arith.addi %add3A_41, %get3A_43 : vector<100352xi32>
    %get3A_45 = arith.constant 1605632 : index
    %get3A_46 = vector.load %arg0[%get3A_45] : memref<3211264xi32, #tpu.memory_space<vmem>>, vector<100352xi32>
    %add3A_47 = arith.addi %add3A_44, %get3A_46 : vector<100352xi32>
    %get3A_48 = arith.constant 1705984 : index
    %get3A_49 = vector.load %arg0[%get3A_48] : memref<3211264xi32, #tpu.memory_space<vmem>>, vector<100352xi32>
    %add3A_50 = arith.addi %add3A_47, %get3A_49 : vector<100352xi32>
    %get3A_51 = arith.constant 1806336 : index
    %get3A_52 = vector.load %arg0[%get3A_51] : memref<3211264xi32, #tpu.memory_space<vmem>>, vector<100352xi32>
    %add3A_53 = arith.addi %add3A_50, %get3A_52 : vector<100352xi32>
    %get3A_54 = arith.constant 1906688 : index
    %get3A_55 = vector.load %arg0[%get3A_54] : memref<3211264xi32, #tpu.memory_space<vmem>>, vector<100352xi32>
    %add3A_56 = arith.addi %add3A_53, %get3A_55 : vector<100352xi32>
    %get3A_57 = arith.constant 2007040 : index
    %get3A_58 = vector.load %arg0[%get3A_57] : memref<3211264xi32, #tpu.memory_space<vmem>>, vector<100352xi32>
    %add3A_59 = arith.addi %add3A_56, %get3A_58 : vector<100352xi32>
    %get3A_60 = arith.constant 2107392 : index
    %get3A_61 = vector.load %arg0[%get3A_60] : memref<3211264xi32, #tpu.memory_space<vmem>>, vector<100352xi32>
    %add3A_62 = arith.addi %add3A_59, %get3A_61 : vector<100352xi32>
    %get3A_63 = arith.constant 2207744 : index
    %get3A_64 = vector.load %arg0[%get3A_63] : memref<3211264xi32, #tpu.memory_space<vmem>>, vector<100352xi32>
    %add3A_65 = arith.addi %add3A_62, %get3A_64 : vector<100352xi32>
    %get3A_66 = arith.constant 2308096 : index
    %get3A_67 = vector.load %arg0[%get3A_66] : memref<3211264xi32, #tpu.memory_space<vmem>>, vector<100352xi32>
    %add3A_68 = arith.addi %add3A_65, %get3A_67 : vector<100352xi32>
    %get3A_69 = arith.constant 2408448 : index
    %get3A_70 = vector.load %arg0[%get3A_69] : memref<3211264xi32, #tpu.memory_space<vmem>>, vector<100352xi32>
    %add3A_71 = arith.addi %add3A_68, %get3A_70 : vector<100352xi32>
    %get3A_72 = arith.constant 2508800 : index
    %get3A_73 = vector.load %arg0[%get3A_72] : memref<3211264xi32, #tpu.memory_space<vmem>>, vector<100352xi32>
    %add3A_74 = arith.addi %add3A_71, %get3A_73 : vector<100352xi32>
    %get3A_75 = arith.constant 2609152 : index
    %get3A_76 = vector.load %arg0[%get3A_75] : memref<3211264xi32, #tpu.memory_space<vmem>>, vector<100352xi32>
    %add3A_77 = arith.addi %add3A_74, %get3A_76 : vector<100352xi32>
    %get3A_78 = arith.constant 2709504 : index
    %get3A_79 = vector.load %arg0[%get3A_78] : memref<3211264xi32, #tpu.memory_space<vmem>>, vector<100352xi32>
    %add3A_80 = arith.addi %add3A_77, %get3A_79 : vector<100352xi32>
    %get3A_81 = arith.constant 2809856 : index
    %get3A_82 = vector.load %arg0[%get3A_81] : memref<3211264xi32, #tpu.memory_space<vmem>>, vector<100352xi32>
    %add3A_83 = arith.addi %add3A_80, %get3A_82 : vector<100352xi32>
    %get3A_84 = arith.constant 2910208 : index
    %get3A_85 = vector.load %arg0[%get3A_84] : memref<3211264xi32, #tpu.memory_space<vmem>>, vector<100352xi32>
    %add3A_86 = arith.addi %add3A_83, %get3A_85 : vector<100352xi32>
    %get3A_87 = arith.constant 3010560 : index
    %get3A_88 = vector.load %arg0[%get3A_87] : memref<3211264xi32, #tpu.memory_space<vmem>>, vector<100352xi32>
    %add3A_89 = arith.addi %add3A_86, %get3A_88 : vector<100352xi32>
    %get3A_90 = arith.constant 3110912 : index
    %get3A_91 = vector.load %arg0[%get3A_90] : memref<3211264xi32, #tpu.memory_space<vmem>>, vector<100352xi32>
    %add3A_92 = arith.addi %add3A_89, %get3A_91 : vector<100352xi32>
    %slice3A = vector.extract_strided_slice %add3A_92 {offsets = [0], sizes = [100000], strides = [1]} : vector<100352xi32> to vector<100000xi32>
    %reduce_min3A = vector.shape_cast %slice3A : vector<100000xi32> to vector<1x100000xi32>
    %reduce_min3A_93 = arith.constant dense<2147483647> : vector<1xi32>
    %reduce_min3A_94 = vector.multi_reduction <minsi>, %reduce_min3A, %reduce_min3A_93 [1] : vector<1x100000xi32> to vector<1xi32>
    %reduce_min3A_95 = vector.shape_cast %reduce_min3A_94 : vector<1xi32> to vector<1x1xi32>
    %reduce_min3A_96 = vector.extract %reduce_min3A_95[0, 0] : i32 from vector<1x1xi32>
    %convert_element_type3A = arith.sitofp %reduce_min3A_96 : i32 to f32
    %swap3A = arith.constant 0 : index
    %swap3A_97 = arith.constant 0 : index
    %swap3A_98 = memref.load %arg1[%swap3A, %swap3A_97] : memref<1x1xf32, #tpu.memory_space<smem>>
    memref.store %convert_element_type3A, %arg1[%swap3A, %swap3A_97] : memref<1x1xf32, #tpu.memory_space<smem>>
    return
  }
}

</mosaic_0001>

<sc_bundles>
// kernel: kernel.5.cloned.1.call-start
scs
__scs_entry_jumppad:
0x0: {  	(pc) =	sbr.rel $0x88, $3  }
0x1: {  	(tag) =	ssettag $0x0;
	lr =	simm.s32 $0x1  }
0x2: {  	[smem:$0x3F9E] =	sst lr;
	_ =	strace $0xD0000000  }
0x3: {  	_ = 	snop  }
0x4: {  	_ = 	snop  }
0x5: {  	_ = 	snop  }
0x6: {  	_ = 	snop  }
0x7: {  	_ = 	snop  }
__scs_overlays_trampoline_lowered:
0x8: {  	[smem:$0x3FAD] =	sst s0  }
0x9: {  	[smem:$0x3FAE] =	sst s1  }
0xa: {  	[smem:$0x3FAF] =	sst s2  }
0xb: {  	[smem:$0x3FB0] =	sst s3  }
0xc: {  	[smem:$0x3FB1] =	sst s4  }
0xd: {  	[smem:$0x3FB2] =	sst s5  }
0xe: {  	[smem:$0x3FB3] =	sst s6  }
0xf: {  	[smem:$0x3FB4] =	sst s7  }
0x10: {  	[smem:$0x3FB5] =	sst s8  }
0x11: {  	[smem:$0x3FB6] =	sst s9;
	s0 =	simm.s32 @!p0 $0x0  }
0x12: {  	s1 =	sld [smem:$0x3F9C];
	s0 =	simm.s32 @p0 $0x1  }
0x13: {  	[smem:$0x3FB7] =	sst s0;
	s0 =	simm.s32 @!p1 $0x0  }
0x14: {  	s2 =	sld [smem:$0x3F9B];
	s0 =	simm.s32 @p1 $0x1  }
0x15: {  	[smem:$0x3FB8] =	sst s0;
	s0 =	simm.s32 @!p2 $0x0  }
0x16: {  	s3 =	sld [smem:$0x3FDB];
	s0 =	simm.s32 @p2 $0x1  }
0x17: {  	s4 =	simm.s32 $0x1BF5;
	[smem:$0x3FBA] =	sst s0  }
0x18: {  	s0 =	sld [smem:$0x3F9D];
	_ =	swait.ge [sflag:s4], $0x0  }
0x19: {  	s7 =	sld [smem:$0x3F9E]  }
0x1a: {  	s8 =	sadd.s32 $0xFFFFE003, lr  }
0x1b: {  	s9 =	sadd.s32 $0xFFFFFEF7, lr;
	s5 =	simm.s32 $0xFFFFFFFF;
	p2 =	slt.u32 s8, $0xFFFFF086  }
0x1c: {  	p1 =	slt.u32 s9, $0xF7A;
	s5 =	simm.s32 @!p2 $0x0  }
0x1d: {  	s5 =	simm.s32 @p1 $0x1;
	p0 =	seq.s32 s7, s2  }
0x1e: {  	s7 =	smul.u32 @!p0 $0xF7A, s2;
	p2 =	seq.s32 @!p0 s5, $0x0  }
0x1f: {  	s9 =	smul.u32 $0xF7A, s1;
	s8 =	simm.s32 @!p0 $0x1BF5;
	p2 =	por !p2, p0  }
0x20: {  	[sflag:s8] =	ssyncset.s32 @!p0 $0xFFFFF086;
	s6 =	sadd.s32 @!p0 s3, s7;
	s7 =	simm.s32 @!p0 $0x108  }
0x21: {  	s3 =	sadd.s32 s3, s9;
	s6 =	sadd.s32 @!p0 $0x88, s6;
	s7 =	simm.s32 @p2 $0x1082  }
0x22: {  	[simem:s7], [sflag:s8] =	dma.local @!p0 [hbm:s6], $0xF7A  }
0x23: {  	s9 =	sor.u32 $0xD0000000, s2;
	s6 =	simm.s32 $0x108;
	_ =	swait.ge @!p0 [sflag:s8], $0x0  }
0x24: {  	s3 =	sadd.s32 $0x88, s3;
	s6 =	simm.s32 @!p1 $0x1082;
	[sflag:s4] =	ssyncset.s32 $0xFFFFF086  }
0x25: {  	[simem:s6], [sflag:s4] =	dma.local [hbm:s3], $0xF7A  }
0x26: {  	[smem:$0x3F9E] =	sst s1;
	(tag) =	ssettag s2;
	_ =	strace s9  }
0x27: {  	s1 =	sld [smem:$0x3FAE]  }
0x28: {  	s2 =	sld [smem:$0x3FAF]  }
0x29: {  	s4 =	sld [smem:$0x3FB1]  }
0x2a: {  	p0 =	seq.s32 s5, $0x0;
	s5 =	sld [smem:$0x3FB2]  }
0x2b: {  	s6 =	sld [smem:$0x3FB3]  }
0x2c: {  	s7 =	sld [smem:$0x3FB4]  }
0x2d: {  	s3 =	simm.s32 $0x108;
	s8 =	sld [smem:$0x3FB5]  }
0x2e: {  	s3 =	simm.s32 @!p0 $0x1082;
	s9 =	sld [smem:$0x3FB6]  }
0x2f: {  	lr =	sadd.s32 s0, s3;
	s0 =	sld [smem:$0x3FAD]  }
0x30: {  	s3 =	sld [smem:$0x3FB0]  }
0x31: {  	[smem:$0x3FB9] =	sst s10  }
0x32: {  	s10 =	sld [smem:$0x3FB7];
	_ =	sdelay $0x3  }
0x33: {  	p0 =	seq.s32 s10, $0x1;
	s10 =	sld [smem:$0x3FB9];
	_ =	sdelay $0x3  }
0x34: {  	[smem:$0x3FB9] =	sst s10  }
0x35: {  	s10 =	sld [smem:$0x3FB8];
	_ =	sdelay $0x3  }
0x36: {  	p1 =	seq.s32 s10, $0x1;
	s10 =	sld [smem:$0x3FB9];
	_ =	sdelay $0x3  }
0x37: {  	[smem:$0x3FB9] =	sst s10  }
0x38: {  	s10 =	sld [smem:$0x3FBA]  }
0x39: {  	_ = 	snop;
	(pc) =	sbr.ind lr, $3  }
0x3a: {  	_ = 	snop  }
0x3b: {  	_ = 	snop  }
0x3c: {  	p2 =	seq.s32 s10, $0x1;
	s10 =	sld [smem:$0x3FB9]  }
0x3d: {  	_ =	shalt  }
0x3e: {  	_ =	shalt  }
0x3f: {  	_ =	shalt  }
0x40: {  	_ =	shalt  }
0x41: {  	_ =	shalt  }
0x42: {  	_ =	shalt  }
0x43: {  	_ =	shalt  }
0x44: {  	_ =	shalt  }
0x45: {  	_ =	shalt  }
0x46: {  	_ =	shalt  }
0x47: {  	_ =	shalt  }
0x48: {  	_ =	shalt  }
0x49: {  	_ =	shalt  }
0x4a: {  	_ =	shalt  }
0x4b: {  	_ =	shalt  }
0x4c: {  	_ =	shalt  }
0x4d: {  	_ =	shalt  }
0x4e: {  	_ =	shalt  }
0x4f: {  	_ =	shalt  }
0x50: {  	_ =	shalt  }
0x51: {  	_ =	shalt  }
0x52: {  	_ =	shalt  }
0x53: {  	_ =	shalt  }
0x54: {  	_ =	shalt  }
0x55: {  	_ =	shalt  }
0x56: {  	_ =	shalt  }
0x57: {  	_ =	shalt  }
0x58: {  	_ =	shalt  }
0x59: {  	_ =	shalt  }
0x5a: {  	_ =	shalt  }
0x5b: {  	_ =	shalt  }
0x5c: {  	_ =	shalt  }
0x5d: {  	_ =	shalt  }
0x5e: {  	_ =	shalt  }
0x5f: {  	_ =	shalt  }
0x60: {  	_ =	shalt  }
0x61: {  	_ =	shalt  }
0x62: {  	_ =	shalt  }
0x63: {  	_ =	shalt  }
0x64: {  	_ =	shalt  }
0x65: {  	_ =	shalt  }
0x66: {  	_ =	shalt  }
0x67: {  	_ =	shalt  }
0x68: {  	_ =	shalt  }
0x69: {  	_ =	shalt  }
0x6a: {  	_ =	shalt  }
0x6b: {  	_ =	shalt  }
0x6c: {  	_ =	shalt  }
0x6d: {  	_ =	shalt  }
0x6e: {  	_ =	shalt  }
0x6f: {  	_ =	shalt  }
0x70: {  	_ =	shalt  }
0x71: {  	_ =	shalt  }
0x72: {  	_ =	shalt  }
0x73: {  	_ =	shalt  }
0x74: {  	_ =	shalt  }
0x75: {  	_ =	shalt  }
0x76: {  	_ =	shalt  }
0x77: {  	_ =	shalt  }
0x78: {  	_ =	shalt  }
0x79: {  	_ =	shalt  }
0x7a: {  	_ =	shalt  }
0x7b: {  	_ =	shalt  }
0x7c: {  	_ =	shalt  }
0x7d: {  	_ =	shalt  }
0x7e: {  	_ =	shalt  }
0x7f: {  	_ =	shalt  }
0x80: {  	_ =	shalt  }
0x81: {  	_ =	shalt  }
0x82: {  	_ =	shalt  }
0x83: {  	_ =	shalt  }
0x84: {  	_ =	shalt  }
0x85: {  	_ =	shalt  }
0x86: {  	_ =	shalt  }
0x87: {  	_ =	shalt  }
.Lfunc_end0:
.L_simem_size_0:
called_computation_lowered:
.L_overlay_start_0:
0x88: {  	s2 =	sld [smem:$0x3FD9]  }
0x89: {  	s3 =	sld [smem:$0x3FFE];
	_ =	sdelay $0x1  }
0x8a: {  	s1 =	srdreg.scid  }
0x8b: {  	s0 =	sand.u32 $0x1, s1  }
0x8c: {  	s17 =	sshll.u32 s0, $0xA;
	s2 =	sadd.s32 s3, s2  }
0x8d: {  	s2 =	sadd.s32 s2, s17  }
0x8e: {  	[smem:$0x3FC5] =	sst s2  }
0x8f: {  	_ = 	snop  }
0x90: {  	s2 =	sld [smem:$0x3FC8]  }
0x91: {  	s18 =	sld [smem:$0x3FC7];
	(tm) =	ssettm $0x1  }
0x92: {  	s4 =	sld [smem:$0x3FFB];
	_ =	sdelay $0x3  }
0x93: {  	_ =	strace s4  }
0x94: {  	s4 =	sld [smem:$0x3FFC];
	_ =	sdelay $0x3  }
0x95: {  	_ =	strace s4  }
0x96: {  	s4 =	sld [smem:$0x3FFD];
	_ =	sdelay $0x3  }
0x97: {  	_ =	strace s4  }
0x98: {  	_ =	strace $0x8FFFFFFF  }
0x99: {  	s19 =	sld [smem:$0x3FDB];
	_ =	sdelay $0x1  }
0x9a: {  	s5 =	simm.s32 $_scs_section_size  }
0x9b: {  	s6 =	simm.s32 $_size__tile_overlayer_lowered;
	s7 =	simm.s32 $_tile_overlayer_lowered  }
0x9c: {  	s22 =	simm.s32 $0x1BFF;
	s21 =	sshll.u32 s7, $0x1;
	s4 =	sadd.s32 s5, s19  }
0x9d: {  	s8 =	simm.s32 $0x0;
	s20 =	sshll.u32 s6, $0x1;
	s6 =	sadd.s32 s21, s4  }
0x9e: {  	[timem:s8], [sflag:s22] =	dma.local [hbm:s6], s20  }
0x9f: {  	_ =	swait.ge [sflag:s22], s20  }
0xa0: {  	s5 =	ssub.s32 $0x0, s20;
	[sflag:s22] =	ssyncset.done $0x0  }
0xa1: {  	[sflag:s22] =	ssyncadd.s32 s5;
	_ =	sdelay $0x1  }
0xa2: {  	s23 =	simm.s32 $0x1B8B  }
0xa3: {  	_ =	swait.ge [sflag:s23], $0x1  }
0xa4: {  	[sflag:s23] =	ssyncset.done $0x0  }
0xa5: {  	s25 =	simm.s32 $0x1B8E;
	s24 =	sld [smem:$0x3FFE];
	[sflag:s23] =	ssyncadd.s32 $0xFFFFFFFF  }
0xa6: {  	s26 =	simm.s32 $execute0_lowered;
	[smem:$0x3FD2] =	sst s25  }
0xa7: {  	s6 =	sshll.u32 s26, $0x1;
	_ =	strace $0x80000046;
	[dreg:$0x1] =	wrdreg $0xFFFFFFFF  }
0xa8: {  	s28 =	simm.s32 $_size_execute0_lowered;
	s4 =	sadd.s32 s4, s6;
	[dreg:$0x0] =	wrdreg $0x0  }
0xa9: {  	s6 =	sshll.u32 s28, $0x1;
	[dreg:$0x2] =	wrdreg s4  }
0xaa: {  	[dreg:$0x3] =	wrdreg s6  }
0xab: {  	[dreg:$0x4] =	wrdreg $0xC0  }
0xac: {  	_ =	task [dreg:s8], $0x5FFFF  }
0xad: {  	[dreg:$0x1] =	wrdreg $0xFFFFFFFF  }
0xae: {  	[dreg:$0x0] =	wrdreg $0x60  }
0xaf: {  	[dreg:$0x2] =	wrdreg s2  }
0xb0: {  	[dreg:$0x3] =	wrdreg s18  }
0xb1: {  	[dreg:$0x4] =	wrdreg s24  }
0xb2: {  	[dreg:$0x5] =	wrdreg $0x9  }
0xb3: {  	_ =	task.clear_ibuf [dreg:s8], $0x6FFFF;
	_ =	strace $0x90000046  }
0xb4: {  	s29 =	simm.s32 $0x9;
	_ =	strace $0x80000048  }
0xb5: {  	_ =	swait.ge [sflag:s29], $0x1  }
0xb6: {  	[sflag:s29] =	ssyncadd.s32 $0xFFFFFFFF  }
0xb7: {  	_ =	strace $0x90000048  }
0xb8: {  	_ =	sfence  }
0xb9: {  	s30 =	sld [smem:$0x0];
	_ =	sdelay $0x2  }
0xba: {  	s31 =	sshll.u32 s1, $0xD;
	s1 =	sshrl.u32 s1, $0x2  }
0xbb: {  	s3 =	sand.u32 $0x4000, s31;
	s1 =	sadd.s32 s1, s30  }
0xbc: {  	s0 =	sor.u32 s3, s0;
	s1 =	sshll.u32 s1, $0x11  }
0xbd: {  	s0 =	sor.u32 s1, s0  }
0xbe: {  	s0 =	sadd.s32 $0x8F2B, s0  }
0xbf: {  	[sflag:s0] =	ssyncadd.remote.s32 $0x1  }
0xc0: {  	_ =	sfence.sel $0xFFFF  }
0xc1: {  	[dreg:$0x0] =	wrdreg $0xFFFFFFFF;
	(pc) =	sbr.abs _section_cstart, $3  }
0xc2: {  	[dreg:$0x1] =	wrdreg $0xFFFFFFFF  }
0xc3: {  	_ =	task.clear_ibuf [dreg:s8], $0x2FFFF;
	_ =	strace $0x9FFFFFFF  }
0xc4: {  	(tm) =	ssettm $0x7FFFFFFF  }
0xc5: {  	_ =	shalt  }
tec
execute0_lowered:
.L_overlay_start_1:
0x0: {  	(tag) =	ssettag $0x1  }
0x1: {  	s1 =	rddreg [dreg:$0x0]  }
0x2: {  	s3 =	rddreg [dreg:$0x1]  }
0x3: {  	s2 =	srdreg.scid;
	s0 =	stileid.u32  }
0x4: {  	s7 =	rddreg [dreg:$0x2];
	s4 =	simm.s32 $0x0;
	s15 =	simm.s32 $0x19480  }
0x5: {  	s16 =	simm.s32 $0x1A880;
	s17 =	simm.s32 $0x18800;
	s18 =	simm.s32 $0x3  }
0x6: {  	s19 =	simm.s32 $0x1;
	s6 =	sand.u32 $0x1, s2;
	s5 =	sshll.u32 s0, $0x1  }
0x7: {  	s20 =	simm.s32 $0x2;
	s2 =	rddreg [dreg:$0x3];
	s5 =	sor.u32 s6, s5  }
0x8: {  	s21 =	simm.s32 $0x0;
	[smem:$0x7FF] =	sst s4;
	s8 =	smul.u32 $0x3100, s5  }
0x9: {  	p0 =	seq.s32 s0, $0x0;
	s9 =	ssub.s32 $0x2, s6;
	s10 =	smul.u32 $0x1400, s5  }
0xa: {  	_ =	strace $0x80000047;
	s30 =	sshrl.u32 s9, $0x1;
	s11 =	smul.u32 $0x280, s5  }
.Ltmp0:
0xb: {  	s6 =	sadd.s32 $0x800, s7;
	s14 =	ssub.s32 s9, s30;
	(pc) =	sbr.rel .LBB2_1-.Ltmp0, $4  }
0xc: {  	s13 =	sadd.s32 s8, s7;
	s31 =	sshrl.u32 s10, $0x3;
	s7 =	simm.s32 $0x28  }
0xd: {  	s8 =	sadd.s32 s1, s11;
	s11 =	sadd.s32 s3, s11;
	s14 =	smax.u32 s14, $0x1  }
0xe: {  	s12 =	sadd.s32 $0x5000, s31;
	s7 =	simm.s32 @!p0 $0x27;
	s13 =	sadd.s32 $0xA00, s13  }
0xf: {  	v0 =	vimm.s32 $0x0;
	v1 =	vimm.s32 $0x1;
	s9 =	sadd.s32 s1, s12;
	s10 =	sadd.s32 $0xFFFFFFFF, s7;
	s12 =	sadd.s32 s3, s12  }
.LBB2_23:
0x10: {  	s21 =	sadd.s32 $0x1, s21  }
0x11: {  	p0 =	sne.s32 s21, s14  }
.Ltmp1:
0x12: {  	_ = 	snop;
	(pc) =	sbr.rel @!p0 .LBB2_24-.Ltmp1, $4  }
0x13: {  	[hbm4b:s13+s4] =	stream.linear.scatter [tilespmem:s4], [sflag:$0x3], $0x18800, $0x38;
	[tilespmem:$0x1BC80] =	vst v63  }
0x14: {  	_ =	swait.ge [sflag:s18], $0x18800  }
0x15: {  	[sflag:s18] =	ssyncset.done $0x0  }
0x16: {  	[sflag:s18] =	ssyncadd.s32 $0xFFFE7800  }
.LBB2_1:
0x17: {  	[tilespmem:s15], [sflag:$0x1] =	stream.linear.gather [hbm4b:s8+s4], $0x1400, $0x38;
	[tilespmem:$0x1BC80] =	vst v63  }
0x18: {  	_ = 	snop  }
0x19: {  	[tilespmem:s16], [sflag:$0x2] =	stream.linear.gather [hbm4b:s9+s4], $0x1400, $0x38;
	[tilespmem:$0x1BC80] =	vst v63  }
0x1a: {  	_ = 	snop  }
0x1b: {  	[tilespmem:s17], [sflag:$0x3] =	stream.linear.gather [hbm4b:s6+s4], $0xC80, $0x38;
	[tilespmem:$0x1BC80] =	vst v63  }
0x1c: {  	_ =	swait.ge [sflag:s18], $0xC80  }
0x1d: {  	[sflag:s18] =	ssyncset.done $0x0  }
0x1e: {  	s22 =	simm.s32 $0x80;
	[sflag:s18] =	ssyncadd.s32 $0xFFFFF380  }
0x1f: {  	[tilespmem:s22+$0xFFFFFF80] =	vst v0  }
0x20: {  	[tilespmem:s22+$0x70] =	vst v0  }
0x21: {  	[tilespmem:s22+$0x60] =	vst v0  }
0x22: {  	[tilespmem:s22+$0x50] =	vst v0  }
0x23: {  	[tilespmem:s22+$0x40] =	vst v0  }
0x24: {  	[tilespmem:s22+$0x30] =	vst v0  }
0x25: {  	[tilespmem:s22+$0x20] =	vst v0  }
0x26: {  	[tilespmem:s22+$0x10] =	vst v0  }
0x27: {  	[tilespmem:s22+$0x0] =	vst v0  }
0x28: {  	[tilespmem:s22+$0xFFFFFFF0] =	vst v0  }
0x29: {  	[tilespmem:s22+$0xFFFFFFE0] =	vst v0  }
0x2a: {  	[tilespmem:s22+$0xFFFFFFD0] =	vst v0  }
0x2b: {  	[tilespmem:s22+$0xFFFFFFC0] =	vst v0  }
0x2c: {  	[tilespmem:s22+$0xFFFFFFB0] =	vst v0  }
0x2d: {  	s23 =	simm.s32 $0x0;
	[tilespmem:s22+$0xFFFFFFA0] =	vst v0  }
.LBB2_2:
0x2e: {  	s23 =	sadd.s32 $0x10, s23;
	[tilespmem:s22+$0xFFFFFF90] =	vst v0;
	s22 =	sadd.s32 $0x100, s22  }
0x2f: {  	[tilespmem:s22+$0xFFFFFF80] =	vst v0;
	p0 =	slt.u32 s23, $0x1870  }
0x30: {  	[tilespmem:s22+$0x70] =	vst v0  }
0x31: {  	[tilespmem:s22+$0x60] =	vst v0  }
0x32: {  	[tilespmem:s22+$0x50] =	vst v0  }
0x33: {  	[tilespmem:s22+$0x40] =	vst v0  }
0x34: {  	[tilespmem:s22+$0x30] =	vst v0  }
0x35: {  	[tilespmem:s22+$0x20] =	vst v0  }
0x36: {  	[tilespmem:s22+$0x10] =	vst v0  }
0x37: {  	[tilespmem:s22+$0x0] =	vst v0  }
0x38: {  	[tilespmem:s22+$0xFFFFFFF0] =	vst v0  }
.Ltmp2:
0x39: {  	[tilespmem:s22+$0xFFFFFFE0] =	vst v0;
	(pc) =	sbr.rel @p0 .LBB2_2-.Ltmp2, $4  }
0x3a: {  	[tilespmem:s22+$0xFFFFFFD0] =	vst v0  }
0x3b: {  	[tilespmem:s22+$0xFFFFFFC0] =	vst v0  }
0x3c: {  	[tilespmem:s22+$0xFFFFFFB0] =	vst v0  }
0x3d: {  	[tilespmem:s22+$0xFFFFFFA0] =	vst v0  }
.Ltmp3:
0x3e: {  	(pc) =	sbr.rel .LBB2_4-.Ltmp3, $2  }
0x3f: {  	_ =	sdelay $0x2  }
0x40: {  	[tilespmem:s22+$0xFFFFFF90] =	vst v0;
	s22 =	simm.s32 $0x0  }
.LBB2_12:
0x41: {  	s23 =	sadd.s32 $0x3, s23  }
0x42: {  	p0 =	sge.u32 s23, s7  }
0x43: {  	s23 =	sshll.u32 @!p0 s23, $0x5  }
0x44: {  	s23 =	sor.u32 @!p0 s5, s23  }
0x45: {  	s23 =	smul.u32 @!p0 $0x280, s23  }
0x46: {  	s22 =	sadd.s32 $0x1, s22  }
0x47: {  	s24 =	simm.s32 @!p0 $0x0;
	s25 =	simm.s32 @!p0 $0x1A880;
	s23 =	sadd.s32 @!p0 s1, s23  }
0x48: {  	[tilespmem:s25], [sflag:$0x2] =	stream.linear.gather @!p0 [hbm4b:s23+s24], $0x1400, $0x38;
	[tilespmem:$0x1BC80] =	vst v63  }
0x49: {  	p0 =	sne.s32 s22, $0x14  }
.Ltmp4:
0x4a: {  	_ = 	snop;
	(pc) =	sbr.rel @!p0 .LBB2_13-.Ltmp4, $1  }
0x4b: {  	_ =	sdelay $0x3  }
.LBB2_4:
0x4c: {  	s23 =	sshll.u32 s22, $0x1  }
0x4d: {  	p0 =	sge.u32 s23, s7  }
.Ltmp5:
0x4e: {  	_ = 	snop;
	(pc) =	sbr.rel @p0 .LBB2_8-.Ltmp5, $1  }
0x4f: {  	_ =	sdelay $0x3  }
0x50: {  	_ =	swait.ge [sflag:s19], $0x1400  }
0x51: {  	[sflag:s19] =	ssyncset.done $0x0  }
0x52: {  	s24 =	simm.s32 $0x19580;
	[sflag:s19] =	ssyncadd.s32 $0xFFFFEC00  }
0x53: {  	v2 =	vld [tilespmem:s24+$0x20]  }
0x54: {  	v3 =	vld [tilespmem:s24+$0xFFFFFF10]  }
0x55: {  	v4 =	vld [tilespmem:s24+$0xFFFFFF30]  }
0x56: {  	v5 =	vld [tilespmem:s24+$0xFFFFFF20]  }
0x57: {  	v6 =	vld [tilespmem:s24+$0xFFFFFF50]  }
0x58: {  	v7 =	vld [tilespmem:s24+$0xFFFFFF40]  }
0x59: {  	v8 =	vld [tilespmem:s24+$0x10]  }
0x5a: {  	v9 =	vld [tilespmem:s24+$0x0]  }
0x5b: {  	v10 =	vld [tilespmem:s24+$0xFFFFFF70]  }
0x5c: {  	v11 =	vld [tilespmem:s24+$0x50]  }
0x5d: {  	v12 =	vld [tilespmem:s24+$0x40]  }
0x5e: {  	v13 =	vld [tilespmem:s24+$0x60]  }
0x5f: {  	v14 =	vld [tilespmem:s24+$0x70]  }
0x60: {  	v15 =	vld [tilespmem:s24+$0xFFFFFF00]  }
0x61: {  	v16 =	vld [tilespmem:s24+$0xFFFFFFE0]  }
0x62: {  	v17 =	vld [tilespmem:s24+$0xFFFFFFF0]  }
0x63: {  	v18 =	vld [tilespmem:s24+$0x80]  }
0x64: {  	v19 =	vld [tilespmem:s24+$0xFFFFFF80]  }
0x65: {  	v20 =	vld [tilespmem:s24+$0xF0]  }
0x66: {  	v21 =	vld [tilespmem:s24+$0xE0]  }
0x67: {  	v22 =	vld [tilespmem:s24+$0xFFFFFFC0]  }
0x68: {  	v23 =	vld [tilespmem:s24+$0xD0]  }
0x69: {  	v25 =	vld [tilespmem:s24+$0xFFFFFFA0]  }
0x6a: {  	v26 =	vld [tilespmem:s24+$0xC0]  }
0x6b: {  	v28 =	vld [tilespmem:s24+$0xB0]  }
0x6c: {  	v30 =	vld [tilespmem:s24+$0xA0]  }
0x6d: {  	v31 =	vld [tilespmem:s24+$0x90]  }
0x6e: {  	v34 =	vld [tilespmem:s24+$0xFFFFFFD0];
	v24 =	vshrl.u32 v19, $0x5  }
0x6f: {  	v37 =	vld [tilespmem:s24+$0xFFFFFFB0];
	v27 =	vshrl.u32 v20, $0x5  }
0x70: {  	v40 =	vld [tilespmem:s24+$0xFFFFFF90];
	v29 =	vshrl.u32 v21, $0x5  }
0x71: {  	v51 =	vld [tilespmem:s24+$0x30];
	v32 =	vshrl.u32 v23, $0x5  }
0x72: {  	v52 =	vld [tilespmem:s24+$0xFFFFFF60];
	v33 =	vshrl.u32 v26, $0x5  }
0x73: {  	v35 =	vshrl.u32 v28, $0x5;
	v24 =	vld.idx.msk [tilespmem:v24+s17+$0x0], $0xffff  }
0x74: {  	v36 =	vshrl.u32 v31, $0x5;
	v38 =	vshrl.u32 v18, $0x5;
	v39 =	vshrl.u32 v17, $0x5;
	v27 =	vld.idx.msk [tilespmem:v27+s17+$0x0], $0xffff  }
0x75: {  	v19 =	vand.u32 $0x1F, v19;
	v41 =	vshrl.u32 v16, $0x5;
	v42 =	vand.u32 $0x1F, v25;
	v29 =	vld.idx.msk [tilespmem:v29+s17+$0x0], $0xffff  }
0x76: {  	v59 =	vshrl.u32 v34, $0x5;
	v43 =	vshrl.u32 v30, $0x5;
	v44 =	vshrl.u32 v22, $0x5;
	v32 =	vld.idx.msk [tilespmem:v32+s17+$0x0], $0xffff  }
0x77: {  	v23 =	vand.u32 $0x1F, v23;
	v60 =	vshrl.u32 v37, $0x5;
	v28 =	vand.u32 $0x1F, v28;
	v33 =	vld.idx.msk [tilespmem:v33+s17+$0x0], $0xffff  }
0x78: {  	v20 =	vand.u32 $0x1F, v20;
	v25 =	vshrl.u32 v25, $0x5;
	v21 =	vand.u32 $0x1F, v21;
	v35 =	vld.idx.msk [tilespmem:v35+s17+$0x0], $0xffff  }
0x79: {  	v17 =	vand.u32 $0x1F, v17;
	v18 =	vand.u32 $0x1F, v18;
	v39 =	vld.idx.msk [tilespmem:v39+s17+$0x0], $0xffff;
	v19 =	vshrl.u32 v24, v19  }
0x7a: {  	v62 =	vshrl.u32 v40, $0x5;
	v36 =	vld.idx.msk [tilespmem:v36+s17+$0x0], $0xffff;
	v20 =	vshrl.u32 v27, v20;
	v19 =	vand.u32 $0x1, v19  }
0x7b: {  	v34 =	vand.u32 $0x1F, v34;
	v38 =	vld.idx.msk [tilespmem:v38+s17+$0x0], $0xffff;
	v20 =	vand.u32 $0x1, v20;
	vm0 =	veq.s32 v19, $0x1  }
0x7c: {  	v63 =	vand.u32 $0x1F, v26;
	v30 =	vand.u32 $0x1F, v30;
	v61 =	vld.idx.msk [tilespmem:v41+s17+$0x0], $0xffff;
	vm1 =	veq.s32 v20, $0x1  }
0x7d: {  	v16 =	vand.u32 $0x1F, v16;
	v45 =	vand.u32 $0x1F, v31;
	v44 =	vld.idx.msk [tilespmem:v44+s17+$0x0], $0xffff;
	v23 =	vshrl.u32 v32, v23  }
0x7e: {  	v53 =	vand.u32 $0x1F, v22;
	v25 =	vld.idx.msk [tilespmem:v25+s17+$0x0], $0xffff;
	v17 =	vshrl.u32 v39, v17;
	v46 =	vand.u32 $0x1, v23  }
0x7f: {  	v47 =	vld.idx.msk [tilespmem:v62+s17+$0x0], $0xffff;
	v21 =	vshrl.u32 v29, v21;
	v17 =	vand.u32 $0x1, v17;
	vm3 =	veq.s32 v46, $0x1  }
0x80: {  	v24 =	vld.idx.msk [tilespmem:v59+s17+$0x0], $0xffff;
	v18 =	vshrl.u32 v38, v18;
	v21 =	vand.u32 $0x1, v21;
	vm4 =	veq.s32 v17, $0x1  }
0x81: {  	v16 =	vshrl.u32 v61, v16;
	v18 =	vand.u32 $0x1, v18;
	[tilespmem:v15+s4+$0x0] =	vst.idx.add.s32.msk vm0, v1;
	vm0 =	veq.s32 v21, $0x1  }
0x82: {  	v16 =	vand.u32 $0x1, v16;
	v20 =	vshrl.u32 v33, v63;
	[tilespmem:v14+s4+$0x0] =	vst.idx.add.s32.msk vm1, v1;
	vm1 =	veq.s32 v18, $0x1  }
0x83: {  	v48 =	vld.idx.msk [tilespmem:v43+s17+$0x0], $0xffff;
	v49 =	vshrl.u32 v36, v45;
	vm8 =	veq.s32 v16, $0x1;
	v20 =	vand.u32 $0x1, v20  }
0x84: {  	v50 =	vshrl.u32 v35, v28;
	v19 =	vld.idx.msk [tilespmem:v60+s17+$0x0], $0xffff;
	vm2 =	veq.s32 v20, $0x1;
	v15 =	vand.u32 $0x1, v49  }
0x85: {  	v55 =	vand.u32 $0x1F, v37;
	v14 =	vand.u32 $0x1, v50;
	[tilespmem:v11+s4+$0x0] =	vst.idx.add.s32.msk vm3, v1;
	vm5 =	veq.s32 v15, $0x1  }
0x86: {  	v56 =	vand.u32 $0x1F, v40;
	v57 =	vshrl.u32 v44, v53;
	[tilespmem:v10+s4+$0x0] =	vst.idx.add.s32.msk vm4, v1;
	vm6 =	veq.s32 v14, $0x1  }
0x87: {  	v59 =	vshrl.u32 v25, v42;
	v58 =	vand.u32 $0x1, v57;
	v54 =	vshrl.u32 v24, v34;
	[tilespmem:v13+s4+$0x0] =	vst.idx.add.s32.msk vm0, v1  }
0x88: {  	v61 =	vand.u32 $0x1, v59;
	v13 =	vand.u32 $0x1, v54;
	[tilespmem:v9+s4+$0x0] =	vst.idx.add.s32.msk vm1, v1;
	vm1 =	veq.s32 v58, $0x1  }
0x89: {  	v63 =	vshrl.u32 v48, v30;
	[tilespmem:v52+s4+$0x0] =	vst.idx.add.s32.msk vm8, v1;
	v14 =	vshrl.u32 v19, v55;
	vm7 =	veq.s32 v13, $0x1  }
0x8a: {  	[tilespmem:v12+s4+$0x0] =	vst.idx.add.s32.msk vm2, v1;
	v60 =	vand.u32 $0x1, v14;
	v12 =	vshrl.u32 v47, v56;
	vm2 =	veq.s32 v61, $0x1  }
0x8b: {  	v62 =	vand.u32 $0x1, v12;
	vm4 =	veq.s32 v60, $0x1;
	[tilespmem:v8+s4+$0x0] =	vst.idx.add.s32.msk vm5, v1;
	v8 =	vand.u32 $0x1, v63  }
0x8c: {  	s25 =	simm.s32 $0x19780;
	s24 =	simm.s32 $0x0;
	vm0 =	veq.s32 v62, $0x1;
	[tilespmem:v51+s4+$0x0] =	vst.idx.add.s32.msk vm6, v1;
	vm5 =	veq.s32 v8, $0x1  }
.LBB2_6:
0x8d: {  	v8 =	vld [tilespmem:s25+$0x20];
	s24 =	sadd.s32 $0x10, s24  }
0x8e: {  	p0 =	slt.u32 s24, $0x90;
	[tilespmem:v7+s4+$0x0] =	vst.idx.add.s32.msk vm1, v1  }
0x8f: {  	[tilespmem:v6+s4+$0x0] =	vst.idx.add.s32.msk vm7, v1  }
0x90: {  	[tilespmem:v5+s4+$0x0] =	vst.idx.add.s32.msk vm2, v1  }
0x91: {  	[tilespmem:v4+s4+$0x0] =	vst.idx.add.s32.msk vm4, v1  }
0x92: {  	[tilespmem:v2+s4+$0x0] =	vst.idx.add.s32.msk vm5, v1;
	v2 =	vmov v8  }
0x93: {  	[tilespmem:v3+s4+$0x0] =	vst.idx.add.s32.msk vm0, v1  }
0x94: {  	v3 =	vld [tilespmem:s25+$0xFFFFFF10]  }
0x95: {  	v4 =	vld [tilespmem:s25+$0xFFFFFF30]  }
0x96: {  	v5 =	vld [tilespmem:s25+$0xFFFFFF20]  }
0x97: {  	v6 =	vld [tilespmem:s25+$0xFFFFFF50]  }
0x98: {  	v7 =	vld [tilespmem:s25+$0xFFFFFF40]  }
0x99: {  	v8 =	vld [tilespmem:s25+$0x10]  }
0x9a: {  	v9 =	vld [tilespmem:s25+$0x0]  }
0x9b: {  	v10 =	vld [tilespmem:s25+$0xFFFFFF70]  }
0x9c: {  	v11 =	vld [tilespmem:s25+$0x50]  }
0x9d: {  	v12 =	vld [tilespmem:s25+$0x40]  }
0x9e: {  	v13 =	vld [tilespmem:s25+$0x60]  }
0x9f: {  	v14 =	vld [tilespmem:s25+$0x70]  }
0xa0: {  	v15 =	vld [tilespmem:s25+$0xFFFFFF00]  }
0xa1: {  	v16 =	vld [tilespmem:s25+$0xFFFFFFE0]  }
0xa2: {  	v17 =	vld [tilespmem:s25+$0xFFFFFFF0]  }
0xa3: {  	v18 =	vld [tilespmem:s25+$0x80]  }
0xa4: {  	v19 =	vld [tilespmem:s25+$0xFFFFFF80]  }
0xa5: {  	v20 =	vld [tilespmem:s25+$0xF0]  }
0xa6: {  	v21 =	vld [tilespmem:s25+$0xE0]  }
0xa7: {  	v22 =	vld [tilespmem:s25+$0xFFFFFFC0]  }
0xa8: {  	v23 =	vld [tilespmem:s25+$0xD0]  }
0xa9: {  	v24 =	vshrl.u32 v19, $0x5;
	v25 =	vld [tilespmem:s25+$0xFFFFFFA0]  }
0xaa: {  	v26 =	vld [tilespmem:s25+$0xC0];
	v27 =	vshrl.u32 v20, $0x5  }
0xab: {  	v28 =	vld [tilespmem:s25+$0xB0];
	v29 =	vshrl.u32 v21, $0x5  }
0xac: {  	v30 =	vld [tilespmem:s25+$0xA0]  }
0xad: {  	v31 =	vld [tilespmem:s25+$0x90];
	v32 =	vshrl.u32 v23, $0x5  }
0xae: {  	v24 =	vld.idx.msk [tilespmem:v24+s17+$0x0], $0xffff  }
0xaf: {  	v33 =	vshrl.u32 v26, $0x5;
	v27 =	vld.idx.msk [tilespmem:v27+s17+$0x0], $0xffff  }
0xb0: {  	v34 =	vand.u32 $0x1F, v25;
	v29 =	vld.idx.msk [tilespmem:v29+s17+$0x0], $0xffff  }
0xb1: {  	v23 =	vand.u32 $0x1F, v23;
	v37 =	vshrl.u32 v28, $0x5;
	v35 =	vld [tilespmem:s25+$0xFFFFFFD0];
	v36 =	vshrl.u32 v30, $0x5  }
0xb2: {  	v20 =	vand.u32 $0x1F, v20;
	v28 =	vand.u32 $0x1F, v28;
	v38 =	vshrl.u32 v31, $0x5;
	v32 =	vld.idx.msk [tilespmem:v32+s17+$0x0], $0xffff  }
0xb3: {  	v40 =	vshrl.u32 v18, $0x5;
	v19 =	vand.u32 $0x1F, v19;
	v21 =	vand.u32 $0x1F, v21;
	v39 =	vld [tilespmem:s25+$0xFFFFFFB0]  }
0xb4: {  	v19 =	vshrl.u32 v24, v19;
	v24 =	vshrl.u32 v17, $0x5;
	v17 =	vand.u32 $0x1F, v17;
	v33 =	vld.idx.msk [tilespmem:v33+s17+$0x0], $0xffff  }
0xb5: {  	v42 =	vshrl.u32 v16, $0x5;
	v18 =	vand.u32 $0x1F, v18;
	v19 =	vand.u32 $0x1, v19;
	v41 =	vld [tilespmem:s25+$0xFFFFFF90]  }
0xb6: {  	v20 =	vshrl.u32 v27, v20;
	v43 =	vshrl.u32 v35, $0x5;
	v35 =	vand.u32 $0x1F, v35;
	v37 =	vld.idx.msk [tilespmem:v37+s17+$0x0], $0xffff  }
0xb7: {  	v30 =	vand.u32 $0x1F, v30;
	v27 =	vshrl.u32 v22, $0x5;
	v20 =	vand.u32 $0x1, v20;
	v38 =	vld.idx.msk [tilespmem:v38+s17+$0x0], $0xffff  }
0xb8: {  	v22 =	vand.u32 $0x1F, v22;
	vm0 =	veq.s32 v20, $0x1;
	v44 =	vshrl.u32 v39, $0x5;
	v40 =	vld.idx.msk [tilespmem:v40+s17+$0x0], $0xffff  }
0xb9: {  	vm1 =	veq.s32 v19, $0x1;
	v19 =	vshrl.u32 v25, $0x5;
	v20 =	vld.idx.msk [tilespmem:v24+s17+$0x0], $0xffff;
	v24 =	vand.u32 $0x1F, v26  }
0xba: {  	v21 =	vshrl.u32 v29, v21;
	v25 =	vshrl.u32 v41, $0x5;
	v26 =	vld.idx.msk [tilespmem:v42+s17+$0x0], $0xffff;
	v24 =	vshrl.u32 v33, v24  }
0xbb: {  	v16 =	vand.u32 $0x1F, v16;
	v21 =	vand.u32 $0x1, v21;
	v29 =	vld.idx.msk [tilespmem:v43+s17+$0x0], $0xffff;
	v24 =	vand.u32 $0x1, v24  }
0xbc: {  	v31 =	vand.u32 $0x1F, v31;
	v23 =	vshrl.u32 v32, v23;
	v28 =	vshrl.u32 v37, v28;
	v27 =	vld.idx.msk [tilespmem:v27+s17+$0x0], $0xffff  }
0xbd: {  	v23 =	vand.u32 $0x1, v23;
	v31 =	vshrl.u32 v38, v31;
	v28 =	vand.u32 $0x1, v28;
	v32 =	vld.idx.msk [tilespmem:v44+s17+$0x0], $0xffff  }
0xbe: {  	v33 =	vand.u32 $0x1F, v41;
	v18 =	vshrl.u32 v40, v18;
	v31 =	vand.u32 $0x1, v31;
	v19 =	vld.idx.msk [tilespmem:v19+s17+$0x0], $0xffff  }
0xbf: {  	[tilespmem:v15+s4+$0x0] =	vst.idx.add.s32.msk vm1, v1;
	v15 =	vshrl.u32 v20, v17;
	v17 =	vand.u32 $0x1, v18;
	vm1 =	veq.s32 v21, $0x1  }
0xc0: {  	vm2 =	veq.s32 v24, $0x1;
	v16 =	vshrl.u32 v26, v16;
	v18 =	vld.idx.msk [tilespmem:v25+s17+$0x0], $0xffff;
	v15 =	vand.u32 $0x1, v15  }
0xc1: {  	vm4 =	veq.s32 v23, $0x1;
	v16 =	vand.u32 $0x1, v16;
	vm5 =	veq.s32 v15, $0x1;
	v15 =	vld.idx.msk [tilespmem:v36+s17+$0x0], $0xffff  }
0xc2: {  	v20 =	vshrl.u32 v29, v35;
	vm6 =	veq.s32 v17, $0x1;
	vm3 =	veq.s32 v16, $0x1;
	[tilespmem:v14+s4+$0x0] =	vst.idx.add.s32.msk vm0, v1  }
0xc3: {  	vm8 =	veq.s32 v31, $0x1;
	v16 =	vshrl.u32 v27, v22;
	v14 =	vand.u32 $0x1F, v39;
	v17 =	vld [tilespmem:s25+$0x30]  }
0xc4: {  	v20 =	vand.u32 $0x1, v20;
	v16 =	vand.u32 $0x1, v16;
	v14 =	vshrl.u32 v32, v14;
	v21 =	vld [tilespmem:s25+$0xFFFFFF60]  }
0xc5: {  	vm9 =	veq.s32 v28, $0x1;
	v19 =	vshrl.u32 v19, v34;
	v14 =	vand.u32 $0x1, v14;
	[tilespmem:v13+s4+$0x0] =	vst.idx.add.s32.msk vm1, v1  }
0xc6: {  	v13 =	vshrl.u32 v18, v33;
	v18 =	vand.u32 $0x1, v19;
	vm1 =	veq.s32 v16, $0x1;
	[tilespmem:v12+s4+$0x0] =	vst.idx.add.s32.msk vm2, v1  }
0xc7: {  	v12 =	vand.u32 $0x1, v13;
	vm2 =	veq.s32 v18, $0x1;
	v13 =	vshrl.u32 v15, v30;
	[tilespmem:v11+s4+$0x0] =	vst.idx.add.s32.msk vm4, v1  }
.Ltmp6:
0xc8: {  	vm0 =	veq.s32 v12, $0x1;
	vm4 =	veq.s32 v14, $0x1;
	[tilespmem:v10+s4+$0x0] =	vst.idx.add.s32.msk vm5, v1;
	v10 =	vand.u32 $0x1, v13;
	(pc) =	sbr.rel @p0 .LBB2_6-.Ltmp6, $4  }
0xc9: {  	vm7 =	veq.s32 v20, $0x1;
	[tilespmem:v9+s4+$0x0] =	vst.idx.add.s32.msk vm6, v1;
	vm5 =	veq.s32 v10, $0x1  }
0xca: {  	[tilespmem:v8+s4+$0x0] =	vst.idx.add.s32.msk vm8, v1  }
0xcb: {  	[tilespmem:v17+s4+$0x0] =	vst.idx.add.s32.msk vm9, v1  }
0xcc: {  	s25 =	sadd.s32 $0x200, s25;
	[tilespmem:v21+s4+$0x0] =	vst.idx.add.s32.msk vm3, v1  }
0xcd: {  	_ =	sdelay $0x4  }
0xce: {  	[tilespmem:v7+s4+$0x0] =	vst.idx.add.s32.msk vm1, v1  }
0xcf: {  	[tilespmem:v6+s4+$0x0] =	vst.idx.add.s32.msk vm7, v1  }
0xd0: {  	[tilespmem:v5+s4+$0x0] =	vst.idx.add.s32.msk vm2, v1  }
0xd1: {  	[tilespmem:v4+s4+$0x0] =	vst.idx.add.s32.msk vm4, v1  }
0xd2: {  	[tilespmem:v2+s4+$0x0] =	vst.idx.add.s32.msk vm5, v1  }
0xd3: {  	[tilespmem:v3+s4+$0x0] =	vst.idx.add.s32.msk vm0, v1  }
.LBB2_8:
0xd4: {  	s24 =	sadd.s32 $0x2, s23  }
0xd5: {  	p0 =	sge.u32 s24, s7  }
0xd6: {  	s24 =	sshll.u32 @!p0 s24, $0x5  }
0xd7: {  	s24 =	sor.u32 @!p0 s5, s24  }
0xd8: {  	s24 =	smul.u32 @!p0 $0x280, s24;
	_ =	sdelay $0x1  }
0xd9: {  	s25 =	simm.s32 @!p0 $0x0;
	s26 =	simm.s32 @!p0 $0x19480;
	s24 =	sadd.s32 @!p0 s1, s24  }
0xda: {  	[tilespmem:s26], [sflag:$0x1] =	stream.linear.gather @!p0 [hbm4b:s24+s25], $0x1400, $0x38;
	[tilespmem:$0x1BC80] =	vst v63  }
0xdb: {  	p0 =	sge.u32 s23, s10  }
.Ltmp7:
0xdc: {  	_ = 	snop;
	(pc) =	sbr.rel @p0 .LBB2_12-.Ltmp7, $1  }
0xdd: {  	_ =	sdelay $0x3  }
0xde: {  	_ =	swait.ge [sflag:s20], $0x1400  }
0xdf: {  	[sflag:s20] =	ssyncset.done $0x0  }
0xe0: {  	s24 =	simm.s32 $0x1A980;
	[sflag:s20] =	ssyncadd.s32 $0xFFFFEC00  }
0xe1: {  	v2 =	vld [tilespmem:s24+$0x20]  }
0xe2: {  	v3 =	vld [tilespmem:s24+$0xFFFFFF10]  }
0xe3: {  	v4 =	vld [tilespmem:s24+$0xFFFFFF30]  }
0xe4: {  	v5 =	vld [tilespmem:s24+$0xFFFFFF20]  }
0xe5: {  	v6 =	vld [tilespmem:s24+$0xFFFFFF50]  }
0xe6: {  	v7 =	vld [tilespmem:s24+$0xFFFFFF40]  }
0xe7: {  	v8 =	vld [tilespmem:s24+$0x10]  }
0xe8: {  	v9 =	vld [tilespmem:s24+$0x0]  }
0xe9: {  	v10 =	vld [tilespmem:s24+$0xFFFFFF70]  }
0xea: {  	v11 =	vld [tilespmem:s24+$0x50]  }
0xeb: {  	v12 =	vld [tilespmem:s24+$0x40]  }
0xec: {  	v13 =	vld [tilespmem:s24+$0x60]  }
0xed: {  	v14 =	vld [tilespmem:s24+$0x70]  }
0xee: {  	v15 =	vld [tilespmem:s24+$0xFFFFFF00]  }
0xef: {  	v16 =	vld [tilespmem:s24+$0xFFFFFFE0]  }
0xf0: {  	v17 =	vld [tilespmem:s24+$0xFFFFFFF0]  }
0xf1: {  	v18 =	vld [tilespmem:s24+$0x80]  }
0xf2: {  	v19 =	vld [tilespmem:s24+$0xFFFFFF80]  }
0xf3: {  	v20 =	vld [tilespmem:s24+$0xF0]  }
0xf4: {  	v21 =	vld [tilespmem:s24+$0xE0]  }
0xf5: {  	v22 =	vld [tilespmem:s24+$0xFFFFFFC0]  }
0xf6: {  	v23 =	vld [tilespmem:s24+$0xD0]  }
0xf7: {  	v25 =	vld [tilespmem:s24+$0xFFFFFFA0]  }
0xf8: {  	v26 =	vld [tilespmem:s24+$0xC0]  }
0xf9: {  	v28 =	vld [tilespmem:s24+$0xB0]  }
0xfa: {  	v30 =	vld [tilespmem:s24+$0xA0]  }
0xfb: {  	v31 =	vld [tilespmem:s24+$0x90]  }
0xfc: {  	v34 =	vld [tilespmem:s24+$0xFFFFFFD0];
	v24 =	vshrl.u32 v19, $0x5  }
0xfd: {  	v37 =	vld [tilespmem:s24+$0xFFFFFFB0];
	v27 =	vshrl.u32 v20, $0x5  }
0xfe: {  	v40 =	vld [tilespmem:s24+$0xFFFFFF90];
	v29 =	vshrl.u32 v21, $0x5  }
0xff: {  	v51 =	vld [tilespmem:s24+$0x30];
	v32 =	vshrl.u32 v23, $0x5  }
0x100: {  	v52 =	vld [tilespmem:s24+$0xFFFFFF60];
	v33 =	vshrl.u32 v26, $0x5  }
0x101: {  	v35 =	vshrl.u32 v28, $0x5;
	v24 =	vld.idx.msk [tilespmem:v24+s17+$0x0], $0xffff  }
0x102: {  	v36 =	vshrl.u32 v31, $0x5;
	v38 =	vshrl.u32 v18, $0x5;
	v39 =	vshrl.u32 v17, $0x5;
	v27 =	vld.idx.msk [tilespmem:v27+s17+$0x0], $0xffff  }
0x103: {  	v19 =	vand.u32 $0x1F, v19;
	v41 =	vshrl.u32 v16, $0x5;
	v42 =	vand.u32 $0x1F, v25;
	v29 =	vld.idx.msk [tilespmem:v29+s17+$0x0], $0xffff  }
0x104: {  	v59 =	vshrl.u32 v34, $0x5;
	v43 =	vshrl.u32 v30, $0x5;
	v44 =	vshrl.u32 v22, $0x5;
	v32 =	vld.idx.msk [tilespmem:v32+s17+$0x0], $0xffff  }
0x105: {  	v23 =	vand.u32 $0x1F, v23;
	v60 =	vshrl.u32 v37, $0x5;
	v28 =	vand.u32 $0x1F, v28;
	v33 =	vld.idx.msk [tilespmem:v33+s17+$0x0], $0xffff  }
0x106: {  	v20 =	vand.u32 $0x1F, v20;
	v25 =	vshrl.u32 v25, $0x5;
	v21 =	vand.u32 $0x1F, v21;
	v35 =	vld.idx.msk [tilespmem:v35+s17+$0x0], $0xffff  }
0x107: {  	v17 =	vand.u32 $0x1F, v17;
	v18 =	vand.u32 $0x1F, v18;
	v39 =	vld.idx.msk [tilespmem:v39+s17+$0x0], $0xffff;
	v19 =	vshrl.u32 v24, v19  }
0x108: {  	v62 =	vshrl.u32 v40, $0x5;
	v36 =	vld.idx.msk [tilespmem:v36+s17+$0x0], $0xffff;
	v20 =	vshrl.u32 v27, v20;
	v19 =	vand.u32 $0x1, v19  }
0x109: {  	v34 =	vand.u32 $0x1F, v34;
	v38 =	vld.idx.msk [tilespmem:v38+s17+$0x0], $0xffff;
	v20 =	vand.u32 $0x1, v20;
	vm0 =	veq.s32 v19, $0x1  }
0x10a: {  	v63 =	vand.u32 $0x1F, v26;
	v30 =	vand.u32 $0x1F, v30;
	v61 =	vld.idx.msk [tilespmem:v41+s17+$0x0], $0xffff;
	vm1 =	veq.s32 v20, $0x1  }
0x10b: {  	v16 =	vand.u32 $0x1F, v16;
	v45 =	vand.u32 $0x1F, v31;
	v44 =	vld.idx.msk [tilespmem:v44+s17+$0x0], $0xffff;
	v23 =	vshrl.u32 v32, v23  }
0x10c: {  	v53 =	vand.u32 $0x1F, v22;
	v25 =	vld.idx.msk [tilespmem:v25+s17+$0x0], $0xffff;
	v17 =	vshrl.u32 v39, v17;
	v46 =	vand.u32 $0x1, v23  }
0x10d: {  	v47 =	vld.idx.msk [tilespmem:v62+s17+$0x0], $0xffff;
	v21 =	vshrl.u32 v29, v21;
	v17 =	vand.u32 $0x1, v17;
	vm3 =	veq.s32 v46, $0x1  }
0x10e: {  	v24 =	vld.idx.msk [tilespmem:v59+s17+$0x0], $0xffff;
	v18 =	vshrl.u32 v38, v18;
	v21 =	vand.u32 $0x1, v21;
	vm4 =	veq.s32 v17, $0x1  }
0x10f: {  	v16 =	vshrl.u32 v61, v16;
	v18 =	vand.u32 $0x1, v18;
	[tilespmem:v15+s4+$0x0] =	vst.idx.add.s32.msk vm0, v1;
	vm0 =	veq.s32 v21, $0x1  }
0x110: {  	v16 =	vand.u32 $0x1, v16;
	v20 =	vshrl.u32 v33, v63;
	[tilespmem:v14+s4+$0x0] =	vst.idx.add.s32.msk vm1, v1;
	vm1 =	veq.s32 v18, $0x1  }
0x111: {  	v48 =	vld.idx.msk [tilespmem:v43+s17+$0x0], $0xffff;
	v49 =	vshrl.u32 v36, v45;
	vm8 =	veq.s32 v16, $0x1;
	v20 =	vand.u32 $0x1, v20  }
0x112: {  	v50 =	vshrl.u32 v35, v28;
	v19 =	vld.idx.msk [tilespmem:v60+s17+$0x0], $0xffff;
	vm2 =	veq.s32 v20, $0x1;
	v15 =	vand.u32 $0x1, v49  }
0x113: {  	v55 =	vand.u32 $0x1F, v37;
	v14 =	vand.u32 $0x1, v50;
	[tilespmem:v11+s4+$0x0] =	vst.idx.add.s32.msk vm3, v1;
	vm5 =	veq.s32 v15, $0x1  }
0x114: {  	v56 =	vand.u32 $0x1F, v40;
	v57 =	vshrl.u32 v44, v53;
	[tilespmem:v10+s4+$0x0] =	vst.idx.add.s32.msk vm4, v1;
	vm6 =	veq.s32 v14, $0x1  }
0x115: {  	v59 =	vshrl.u32 v25, v42;
	v58 =	vand.u32 $0x1, v57;
	v54 =	vshrl.u32 v24, v34;
	[tilespmem:v13+s4+$0x0] =	vst.idx.add.s32.msk vm0, v1  }
0x116: {  	v61 =	vand.u32 $0x1, v59;
	v13 =	vand.u32 $0x1, v54;
	[tilespmem:v9+s4+$0x0] =	vst.idx.add.s32.msk vm1, v1;
	vm1 =	veq.s32 v58, $0x1  }
0x117: {  	v63 =	vshrl.u32 v48, v30;
	[tilespmem:v52+s4+$0x0] =	vst.idx.add.s32.msk vm8, v1;
	v14 =	vshrl.u32 v19, v55;
	vm7 =	veq.s32 v13, $0x1  }
0x118: {  	[tilespmem:v12+s4+$0x0] =	vst.idx.add.s32.msk vm2, v1;
	v60 =	vand.u32 $0x1, v14;
	v12 =	vshrl.u32 v47, v56;
	vm2 =	veq.s32 v61, $0x1  }
0x119: {  	v62 =	vand.u32 $0x1, v12;
	vm4 =	veq.s32 v60, $0x1;
	[tilespmem:v8+s4+$0x0] =	vst.idx.add.s32.msk vm5, v1;
	v8 =	vand.u32 $0x1, v63  }
0x11a: {  	s25 =	simm.s32 $0x1AB80;
	s24 =	simm.s32 $0x0;
	vm0 =	veq.s32 v62, $0x1;
	[tilespmem:v51+s4+$0x0] =	vst.idx.add.s32.msk vm6, v1;
	vm5 =	veq.s32 v8, $0x1  }
.LBB2_10:
0x11b: {  	v8 =	vld [tilespmem:s25+$0x20];
	s24 =	sadd.s32 $0x10, s24  }
0x11c: {  	p0 =	slt.u32 s24, $0x90;
	[tilespmem:v7+s4+$0x0] =	vst.idx.add.s32.msk vm1, v1  }
0x11d: {  	[tilespmem:v6+s4+$0x0] =	vst.idx.add.s32.msk vm7, v1  }
0x11e: {  	[tilespmem:v5+s4+$0x0] =	vst.idx.add.s32.msk vm2, v1  }
0x11f: {  	[tilespmem:v4+s4+$0x0] =	vst.idx.add.s32.msk vm4, v1  }
0x120: {  	[tilespmem:v2+s4+$0x0] =	vst.idx.add.s32.msk vm5, v1;
	v2 =	vmov v8  }
0x121: {  	[tilespmem:v3+s4+$0x0] =	vst.idx.add.s32.msk vm0, v1  }
0x122: {  	v3 =	vld [tilespmem:s25+$0xFFFFFF10]  }
0x123: {  	v4 =	vld [tilespmem:s25+$0xFFFFFF30]  }
0x124: {  	v5 =	vld [tilespmem:s25+$0xFFFFFF20]  }
0x125: {  	v6 =	vld [tilespmem:s25+$0xFFFFFF50]  }
0x126: {  	v7 =	vld [tilespmem:s25+$0xFFFFFF40]  }
0x127: {  	v8 =	vld [tilespmem:s25+$0x10]  }
0x128: {  	v9 =	vld [tilespmem:s25+$0x0]  }
0x129: {  	v10 =	vld [tilespmem:s25+$0xFFFFFF70]  }
0x12a: {  	v11 =	vld [tilespmem:s25+$0x50]  }
0x12b: {  	v12 =	vld [tilespmem:s25+$0x40]  }
0x12c: {  	v13 =	vld [tilespmem:s25+$0x60]  }
0x12d: {  	v14 =	vld [tilespmem:s25+$0x70]  }
0x12e: {  	v15 =	vld [tilespmem:s25+$0xFFFFFF00]  }
0x12f: {  	v16 =	vld [tilespmem:s25+$0xFFFFFFE0]  }
0x130: {  	v17 =	vld [tilespmem:s25+$0xFFFFFFF0]  }
0x131: {  	v18 =	vld [tilespmem:s25+$0x80]  }
0x132: {  	v19 =	vld [tilespmem:s25+$0xFFFFFF80]  }
0x133: {  	v20 =	vld [tilespmem:s25+$0xF0]  }
0x134: {  	v21 =	vld [tilespmem:s25+$0xE0]  }
0x135: {  	v22 =	vld [tilespmem:s25+$0xFFFFFFC0]  }
0x136: {  	v23 =	vld [tilespmem:s25+$0xD0]  }
0x137: {  	v24 =	vshrl.u32 v19, $0x5;
	v25 =	vld [tilespmem:s25+$0xFFFFFFA0]  }
0x138: {  	v26 =	vld [tilespmem:s25+$0xC0];
	v27 =	vshrl.u32 v20, $0x5  }
0x139: {  	v28 =	vld [tilespmem:s25+$0xB0];
	v29 =	vshrl.u32 v21, $0x5  }
0x13a: {  	v30 =	vld [tilespmem:s25+$0xA0]  }
0x13b: {  	v31 =	vld [tilespmem:s25+$0x90];
	v32 =	vshrl.u32 v23, $0x5  }
0x13c: {  	v24 =	vld.idx.msk [tilespmem:v24+s17+$0x0], $0xffff  }
0x13d: {  	v33 =	vshrl.u32 v26, $0x5;
	v27 =	vld.idx.msk [tilespmem:v27+s17+$0x0], $0xffff  }
0x13e: {  	v34 =	vand.u32 $0x1F, v25;
	v29 =	vld.idx.msk [tilespmem:v29+s17+$0x0], $0xffff  }
0x13f: {  	v23 =	vand.u32 $0x1F, v23;
	v37 =	vshrl.u32 v28, $0x5;
	v35 =	vld [tilespmem:s25+$0xFFFFFFD0];
	v36 =	vshrl.u32 v30, $0x5  }
0x140: {  	v20 =	vand.u32 $0x1F, v20;
	v28 =	vand.u32 $0x1F, v28;
	v38 =	vshrl.u32 v31, $0x5;
	v32 =	vld.idx.msk [tilespmem:v32+s17+$0x0], $0xffff  }
0x141: {  	v40 =	vshrl.u32 v18, $0x5;
	v19 =	vand.u32 $0x1F, v19;
	v21 =	vand.u32 $0x1F, v21;
	v39 =	vld [tilespmem:s25+$0xFFFFFFB0]  }
0x142: {  	v19 =	vshrl.u32 v24, v19;
	v24 =	vshrl.u32 v17, $0x5;
	v17 =	vand.u32 $0x1F, v17;
	v33 =	vld.idx.msk [tilespmem:v33+s17+$0x0], $0xffff  }
0x143: {  	v42 =	vshrl.u32 v16, $0x5;
	v18 =	vand.u32 $0x1F, v18;
	v19 =	vand.u32 $0x1, v19;
	v41 =	vld [tilespmem:s25+$0xFFFFFF90]  }
0x144: {  	v20 =	vshrl.u32 v27, v20;
	v43 =	vshrl.u32 v35, $0x5;
	v35 =	vand.u32 $0x1F, v35;
	v37 =	vld.idx.msk [tilespmem:v37+s17+$0x0], $0xffff  }
0x145: {  	v30 =	vand.u32 $0x1F, v30;
	v27 =	vshrl.u32 v22, $0x5;
	v20 =	vand.u32 $0x1, v20;
	v38 =	vld.idx.msk [tilespmem:v38+s17+$0x0], $0xffff  }
0x146: {  	v22 =	vand.u32 $0x1F, v22;
	vm0 =	veq.s32 v20, $0x1;
	v44 =	vshrl.u32 v39, $0x5;
	v40 =	vld.idx.msk [tilespmem:v40+s17+$0x0], $0xffff  }
0x147: {  	vm1 =	veq.s32 v19, $0x1;
	v19 =	vshrl.u32 v25, $0x5;
	v20 =	vld.idx.msk [tilespmem:v24+s17+$0x0], $0xffff;
	v24 =	vand.u32 $0x1F, v26  }
0x148: {  	v21 =	vshrl.u32 v29, v21;
	v25 =	vshrl.u32 v41, $0x5;
	v26 =	vld.idx.msk [tilespmem:v42+s17+$0x0], $0xffff;
	v24 =	vshrl.u32 v33, v24  }
0x149: {  	v16 =	vand.u32 $0x1F, v16;
	v21 =	vand.u32 $0x1, v21;
	v29 =	vld.idx.msk [tilespmem:v43+s17+$0x0], $0xffff;
	v24 =	vand.u32 $0x1, v24  }
0x14a: {  	v31 =	vand.u32 $0x1F, v31;
	v23 =	vshrl.u32 v32, v23;
	v28 =	vshrl.u32 v37, v28;
	v27 =	vld.idx.msk [tilespmem:v27+s17+$0x0], $0xffff  }
0x14b: {  	v23 =	vand.u32 $0x1, v23;
	v31 =	vshrl.u32 v38, v31;
	v28 =	vand.u32 $0x1, v28;
	v32 =	vld.idx.msk [tilespmem:v44+s17+$0x0], $0xffff  }
0x14c: {  	v33 =	vand.u32 $0x1F, v41;
	v18 =	vshrl.u32 v40, v18;
	v31 =	vand.u32 $0x1, v31;
	v19 =	vld.idx.msk [tilespmem:v19+s17+$0x0], $0xffff  }
0x14d: {  	[tilespmem:v15+s4+$0x0] =	vst.idx.add.s32.msk vm1, v1;
	v15 =	vshrl.u32 v20, v17;
	v17 =	vand.u32 $0x1, v18;
	vm1 =	veq.s32 v21, $0x1  }
0x14e: {  	vm2 =	veq.s32 v24, $0x1;
	v16 =	vshrl.u32 v26, v16;
	v18 =	vld.idx.msk [tilespmem:v25+s17+$0x0], $0xffff;
	v15 =	vand.u32 $0x1, v15  }
0x14f: {  	vm4 =	veq.s32 v23, $0x1;
	v16 =	vand.u32 $0x1, v16;
	vm5 =	veq.s32 v15, $0x1;
	v15 =	vld.idx.msk [tilespmem:v36+s17+$0x0], $0xffff  }
0x150: {  	v20 =	vshrl.u32 v29, v35;
	vm6 =	veq.s32 v17, $0x1;
	vm3 =	veq.s32 v16, $0x1;
	[tilespmem:v14+s4+$0x0] =	vst.idx.add.s32.msk vm0, v1  }
0x151: {  	vm8 =	veq.s32 v31, $0x1;
	v16 =	vshrl.u32 v27, v22;
	v14 =	vand.u32 $0x1F, v39;
	v17 =	vld [tilespmem:s25+$0x30]  }
0x152: {  	v20 =	vand.u32 $0x1, v20;
	v16 =	vand.u32 $0x1, v16;
	v14 =	vshrl.u32 v32, v14;
	v21 =	vld [tilespmem:s25+$0xFFFFFF60]  }
0x153: {  	vm9 =	veq.s32 v28, $0x1;
	v19 =	vshrl.u32 v19, v34;
	v14 =	vand.u32 $0x1, v14;
	[tilespmem:v13+s4+$0x0] =	vst.idx.add.s32.msk vm1, v1  }
0x154: {  	v13 =	vshrl.u32 v18, v33;
	v18 =	vand.u32 $0x1, v19;
	vm1 =	veq.s32 v16, $0x1;
	[tilespmem:v12+s4+$0x0] =	vst.idx.add.s32.msk vm2, v1  }
0x155: {  	v12 =	vand.u32 $0x1, v13;
	vm2 =	veq.s32 v18, $0x1;
	v13 =	vshrl.u32 v15, v30;
	[tilespmem:v11+s4+$0x0] =	vst.idx.add.s32.msk vm4, v1  }
.Ltmp8:
0x156: {  	vm0 =	veq.s32 v12, $0x1;
	vm4 =	veq.s32 v14, $0x1;
	[tilespmem:v10+s4+$0x0] =	vst.idx.add.s32.msk vm5, v1;
	v10 =	vand.u32 $0x1, v13;
	(pc) =	sbr.rel @p0 .LBB2_10-.Ltmp8, $4  }
0x157: {  	vm7 =	veq.s32 v20, $0x1;
	[tilespmem:v9+s4+$0x0] =	vst.idx.add.s32.msk vm6, v1;
	vm5 =	veq.s32 v10, $0x1  }
0x158: {  	[tilespmem:v8+s4+$0x0] =	vst.idx.add.s32.msk vm8, v1  }
0x159: {  	[tilespmem:v17+s4+$0x0] =	vst.idx.add.s32.msk vm9, v1  }
0x15a: {  	s25 =	sadd.s32 $0x200, s25;
	[tilespmem:v21+s4+$0x0] =	vst.idx.add.s32.msk vm3, v1  }
0x15b: {  	_ =	sdelay $0x4  }
0x15c: {  	[tilespmem:v7+s4+$0x0] =	vst.idx.add.s32.msk vm1, v1  }
.Ltmp9:
0x15d: {  	[tilespmem:v6+s4+$0x0] =	vst.idx.add.s32.msk vm7, v1;
	(pc) =	sbr.rel .LBB2_12-.Ltmp9, $4  }
0x15e: {  	[tilespmem:v5+s4+$0x0] =	vst.idx.add.s32.msk vm2, v1  }
0x15f: {  	[tilespmem:v4+s4+$0x0] =	vst.idx.add.s32.msk vm4, v1  }
0x160: {  	[tilespmem:v2+s4+$0x0] =	vst.idx.add.s32.msk vm5, v1  }
0x161: {  	[tilespmem:v3+s4+$0x0] =	vst.idx.add.s32.msk vm0, v1  }
.LBB2_13:
.Ltmp10:
0x162: {  	(pc) =	sbr.rel .LBB2_14-.Ltmp10, $4  }
0x163: {  	s22 =	simm.s32 $0x0  }
0x164: {  	[tilespmem:s15], [sflag:$0x1] =	stream.linear.gather [hbm4b:s11+s22], $0x1400, $0x38;
	[tilespmem:$0x1BC80] =	vst v63  }
0x165: {  	_ = 	snop  }
0x166: {  	[tilespmem:s16], [sflag:$0x2] =	stream.linear.gather [hbm4b:s12+s22], $0x1400, $0x38;
	[tilespmem:$0x1BC80] =	vst v63  }
.LBB2_22:
0x167: {  	s23 =	sadd.s32 $0x3, s23  }
0x168: {  	p0 =	sge.u32 s23, s7  }
0x169: {  	s23 =	sshll.u32 @!p0 s23, $0x5  }
0x16a: {  	s23 =	sor.u32 @!p0 s5, s23  }
0x16b: {  	s23 =	smul.u32 @!p0 $0x280, s23  }
0x16c: {  	s22 =	sadd.s32 $0x1, s22  }
0x16d: {  	s24 =	simm.s32 @!p0 $0x0;
	s25 =	simm.s32 @!p0 $0x1A880;
	s23 =	sadd.s32 @!p0 s3, s23  }
0x16e: {  	[tilespmem:s25], [sflag:$0x2] =	stream.linear.gather @!p0 [hbm4b:s23+s24], $0x1400, $0x38;
	[tilespmem:$0x1BC80] =	vst v63  }
0x16f: {  	p0 =	sne.s32 s22, $0x14  }
.Ltmp11:
0x170: {  	_ = 	snop;
	(pc) =	sbr.rel @!p0 .LBB2_23-.Ltmp11, $1  }
0x171: {  	_ =	sdelay $0x3  }
.LBB2_14:
0x172: {  	s23 =	sshll.u32 s22, $0x1  }
0x173: {  	p0 =	sge.u32 s23, s7  }
.Ltmp12:
0x174: {  	_ = 	snop;
	(pc) =	sbr.rel @p0 .LBB2_18-.Ltmp12, $1  }
0x175: {  	_ =	sdelay $0x3  }
0x176: {  	_ =	swait.ge [sflag:s19], $0x1400  }
0x177: {  	[sflag:s19] =	ssyncset.done $0x0  }
0x178: {  	s24 =	simm.s32 $0x19580;
	[sflag:s19] =	ssyncadd.s32 $0xFFFFEC00  }
0x179: {  	v2 =	vld [tilespmem:s24+$0x20]  }
0x17a: {  	v3 =	vld [tilespmem:s24+$0xFFFFFF10]  }
0x17b: {  	v4 =	vld [tilespmem:s24+$0xFFFFFF30]  }
0x17c: {  	v5 =	vld [tilespmem:s24+$0xFFFFFF20]  }
0x17d: {  	v6 =	vld [tilespmem:s24+$0xFFFFFF50]  }
0x17e: {  	v7 =	vld [tilespmem:s24+$0xFFFFFF40]  }
0x17f: {  	v8 =	vld [tilespmem:s24+$0x10]  }
0x180: {  	v9 =	vld [tilespmem:s24+$0x0]  }
0x181: {  	v10 =	vld [tilespmem:s24+$0xFFFFFF70]  }
0x182: {  	v11 =	vld [tilespmem:s24+$0x50]  }
0x183: {  	v12 =	vld [tilespmem:s24+$0x40]  }
0x184: {  	v13 =	vld [tilespmem:s24+$0x60]  }
0x185: {  	v14 =	vld [tilespmem:s24+$0x70]  }
0x186: {  	v15 =	vld [tilespmem:s24+$0xFFFFFF00]  }
0x187: {  	v16 =	vld [tilespmem:s24+$0xFFFFFFE0]  }
0x188: {  	v17 =	vld [tilespmem:s24+$0xFFFFFFF0]  }
0x189: {  	v18 =	vld [tilespmem:s24+$0x80]  }
0x18a: {  	v19 =	vld [tilespmem:s24+$0xFFFFFF80]  }
0x18b: {  	v20 =	vld [tilespmem:s24+$0xF0]  }
0x18c: {  	v21 =	vld [tilespmem:s24+$0xE0]  }
0x18d: {  	v22 =	vld [tilespmem:s24+$0xFFFFFFC0]  }
0x18e: {  	v23 =	vld [tilespmem:s24+$0xD0]  }
0x18f: {  	v25 =	vld [tilespmem:s24+$0xFFFFFFA0]  }
0x190: {  	v26 =	vld [tilespmem:s24+$0xC0]  }
0x191: {  	v28 =	vld [tilespmem:s24+$0xB0]  }
0x192: {  	v30 =	vld [tilespmem:s24+$0xA0]  }
0x193: {  	v31 =	vld [tilespmem:s24+$0x90]  }
0x194: {  	v34 =	vld [tilespmem:s24+$0xFFFFFFD0];
	v24 =	vshrl.u32 v19, $0x5  }
0x195: {  	v37 =	vld [tilespmem:s24+$0xFFFFFFB0];
	v27 =	vshrl.u32 v20, $0x5  }
0x196: {  	v40 =	vld [tilespmem:s24+$0xFFFFFF90];
	v29 =	vshrl.u32 v21, $0x5  }
0x197: {  	v51 =	vld [tilespmem:s24+$0x30];
	v32 =	vshrl.u32 v23, $0x5  }
0x198: {  	v52 =	vld [tilespmem:s24+$0xFFFFFF60];
	v33 =	vshrl.u32 v26, $0x5  }
0x199: {  	v35 =	vshrl.u32 v28, $0x5;
	v24 =	vld.idx.msk [tilespmem:v24+s17+$0x0], $0xffff  }
0x19a: {  	v36 =	vshrl.u32 v31, $0x5;
	v38 =	vshrl.u32 v18, $0x5;
	v39 =	vshrl.u32 v17, $0x5;
	v27 =	vld.idx.msk [tilespmem:v27+s17+$0x0], $0xffff  }
0x19b: {  	v19 =	vand.u32 $0x1F, v19;
	v41 =	vshrl.u32 v16, $0x5;
	v42 =	vand.u32 $0x1F, v25;
	v29 =	vld.idx.msk [tilespmem:v29+s17+$0x0], $0xffff  }
0x19c: {  	v59 =	vshrl.u32 v34, $0x5;
	v43 =	vshrl.u32 v30, $0x5;
	v44 =	vshrl.u32 v22, $0x5;
	v32 =	vld.idx.msk [tilespmem:v32+s17+$0x0], $0xffff  }
0x19d: {  	v23 =	vand.u32 $0x1F, v23;
	v60 =	vshrl.u32 v37, $0x5;
	v28 =	vand.u32 $0x1F, v28;
	v33 =	vld.idx.msk [tilespmem:v33+s17+$0x0], $0xffff  }
0x19e: {  	v20 =	vand.u32 $0x1F, v20;
	v25 =	vshrl.u32 v25, $0x5;
	v21 =	vand.u32 $0x1F, v21;
	v35 =	vld.idx.msk [tilespmem:v35+s17+$0x0], $0xffff  }
0x19f: {  	v17 =	vand.u32 $0x1F, v17;
	v18 =	vand.u32 $0x1F, v18;
	v39 =	vld.idx.msk [tilespmem:v39+s17+$0x0], $0xffff;
	v19 =	vshrl.u32 v24, v19  }
0x1a0: {  	v62 =	vshrl.u32 v40, $0x5;
	v36 =	vld.idx.msk [tilespmem:v36+s17+$0x0], $0xffff;
	v20 =	vshrl.u32 v27, v20;
	v19 =	vand.u32 $0x1, v19  }
0x1a1: {  	v34 =	vand.u32 $0x1F, v34;
	v38 =	vld.idx.msk [tilespmem:v38+s17+$0x0], $0xffff;
	v20 =	vand.u32 $0x1, v20;
	vm0 =	veq.s32 v19, $0x0  }
0x1a2: {  	v63 =	vand.u32 $0x1F, v26;
	v30 =	vand.u32 $0x1F, v30;
	v61 =	vld.idx.msk [tilespmem:v41+s17+$0x0], $0xffff;
	vm1 =	veq.s32 v20, $0x0  }
0x1a3: {  	v16 =	vand.u32 $0x1F, v16;
	v45 =	vand.u32 $0x1F, v31;
	v44 =	vld.idx.msk [tilespmem:v44+s17+$0x0], $0xffff;
	v23 =	vshrl.u32 v32, v23  }
0x1a4: {  	v53 =	vand.u32 $0x1F, v22;
	v25 =	vld.idx.msk [tilespmem:v25+s17+$0x0], $0xffff;
	v17 =	vshrl.u32 v39, v17;
	v46 =	vand.u32 $0x1, v23  }
0x1a5: {  	v47 =	vld.idx.msk [tilespmem:v62+s17+$0x0], $0xffff;
	v21 =	vshrl.u32 v29, v21;
	v17 =	vand.u32 $0x1, v17;
	vm3 =	veq.s32 v46, $0x0  }
0x1a6: {  	v24 =	vld.idx.msk [tilespmem:v59+s17+$0x0], $0xffff;
	v18 =	vshrl.u32 v38, v18;
	v21 =	vand.u32 $0x1, v21;
	vm4 =	veq.s32 v17, $0x0  }
0x1a7: {  	v16 =	vshrl.u32 v61, v16;
	v18 =	vand.u32 $0x1, v18;
	[tilespmem:v15+s4+$0x0] =	vst.idx.add.s32.msk vm0, v1;
	vm0 =	veq.s32 v21, $0x0  }
0x1a8: {  	v16 =	vand.u32 $0x1, v16;
	v20 =	vshrl.u32 v33, v63;
	[tilespmem:v14+s4+$0x0] =	vst.idx.add.s32.msk vm1, v1;
	vm1 =	veq.s32 v18, $0x0  }
0x1a9: {  	v48 =	vld.idx.msk [tilespmem:v43+s17+$0x0], $0xffff;
	v49 =	vshrl.u32 v36, v45;
	vm8 =	veq.s32 v16, $0x0;
	v20 =	vand.u32 $0x1, v20  }
0x1aa: {  	v50 =	vshrl.u32 v35, v28;
	v19 =	vld.idx.msk [tilespmem:v60+s17+$0x0], $0xffff;
	vm2 =	veq.s32 v20, $0x0;
	v15 =	vand.u32 $0x1, v49  }
0x1ab: {  	v55 =	vand.u32 $0x1F, v37;
	v14 =	vand.u32 $0x1, v50;
	[tilespmem:v11+s4+$0x0] =	vst.idx.add.s32.msk vm3, v1;
	vm5 =	veq.s32 v15, $0x0  }
0x1ac: {  	v56 =	vand.u32 $0x1F, v40;
	v57 =	vshrl.u32 v44, v53;
	[tilespmem:v10+s4+$0x0] =	vst.idx.add.s32.msk vm4, v1;
	vm6 =	veq.s32 v14, $0x0  }
0x1ad: {  	v59 =	vshrl.u32 v25, v42;
	v58 =	vand.u32 $0x1, v57;
	v54 =	vshrl.u32 v24, v34;
	[tilespmem:v13+s4+$0x0] =	vst.idx.add.s32.msk vm0, v1  }
0x1ae: {  	v61 =	vand.u32 $0x1, v59;
	v13 =	vand.u32 $0x1, v54;
	[tilespmem:v9+s4+$0x0] =	vst.idx.add.s32.msk vm1, v1;
	vm1 =	veq.s32 v58, $0x0  }
0x1af: {  	v63 =	vshrl.u32 v48, v30;
	[tilespmem:v52+s4+$0x0] =	vst.idx.add.s32.msk vm8, v1;
	v14 =	vshrl.u32 v19, v55;
	vm7 =	veq.s32 v13, $0x0  }
0x1b0: {  	[tilespmem:v12+s4+$0x0] =	vst.idx.add.s32.msk vm2, v1;
	v60 =	vand.u32 $0x1, v14;
	v12 =	vshrl.u32 v47, v56;
	vm2 =	veq.s32 v61, $0x0  }
0x1b1: {  	v62 =	vand.u32 $0x1, v12;
	vm4 =	veq.s32 v60, $0x0;
	[tilespmem:v8+s4+$0x0] =	vst.idx.add.s32.msk vm5, v1;
	v8 =	vand.u32 $0x1, v63  }
0x1b2: {  	s25 =	simm.s32 $0x19780;
	s24 =	simm.s32 $0x0;
	vm0 =	veq.s32 v62, $0x0;
	[tilespmem:v51+s4+$0x0] =	vst.idx.add.s32.msk vm6, v1;
	vm5 =	veq.s32 v8, $0x0  }
.LBB2_16:
0x1b3: {  	v8 =	vld [tilespmem:s25+$0x20];
	s24 =	sadd.s32 $0x10, s24  }
0x1b4: {  	p0 =	slt.u32 s24, $0x90;
	[tilespmem:v7+s4+$0x0] =	vst.idx.add.s32.msk vm1, v1  }
0x1b5: {  	[tilespmem:v6+s4+$0x0] =	vst.idx.add.s32.msk vm7, v1  }
0x1b6: {  	[tilespmem:v5+s4+$0x0] =	vst.idx.add.s32.msk vm2, v1  }
0x1b7: {  	[tilespmem:v4+s4+$0x0] =	vst.idx.add.s32.msk vm4, v1  }
0x1b8: {  	[tilespmem:v2+s4+$0x0] =	vst.idx.add.s32.msk vm5, v1;
	v2 =	vmov v8  }
0x1b9: {  	[tilespmem:v3+s4+$0x0] =	vst.idx.add.s32.msk vm0, v1  }
0x1ba: {  	v3 =	vld [tilespmem:s25+$0xFFFFFF10]  }
0x1bb: {  	v4 =	vld [tilespmem:s25+$0xFFFFFF30]  }
0x1bc: {  	v5 =	vld [tilespmem:s25+$0xFFFFFF20]  }
0x1bd: {  	v6 =	vld [tilespmem:s25+$0xFFFFFF50]  }
0x1be: {  	v7 =	vld [tilespmem:s25+$0xFFFFFF40]  }
0x1bf: {  	v8 =	vld [tilespmem:s25+$0x10]  }
0x1c0: {  	v9 =	vld [tilespmem:s25+$0x0]  }
0x1c1: {  	v10 =	vld [tilespmem:s25+$0xFFFFFF70]  }
0x1c2: {  	v11 =	vld [tilespmem:s25+$0x50]  }
0x1c3: {  	v12 =	vld [tilespmem:s25+$0x40]  }
0x1c4: {  	v13 =	vld [tilespmem:s25+$0x60]  }
0x1c5: {  	v14 =	vld [tilespmem:s25+$0x70]  }
0x1c6: {  	v15 =	vld [tilespmem:s25+$0xFFFFFF00]  }
0x1c7: {  	v16 =	vld [tilespmem:s25+$0xFFFFFFE0]  }
0x1c8: {  	v17 =	vld [tilespmem:s25+$0xFFFFFFF0]  }
0x1c9: {  	v18 =	vld [tilespmem:s25+$0x80]  }
0x1ca: {  	v19 =	vld [tilespmem:s25+$0xFFFFFF80]  }
0x1cb: {  	v20 =	vld [tilespmem:s25+$0xF0]  }
0x1cc: {  	v21 =	vld [tilespmem:s25+$0xE0]  }
0x1cd: {  	v22 =	vld [tilespmem:s25+$0xFFFFFFC0]  }
0x1ce: {  	v23 =	vld [tilespmem:s25+$0xD0]  }
0x1cf: {  	v24 =	vshrl.u32 v19, $0x5;
	v25 =	vld [tilespmem:s25+$0xFFFFFFA0]  }
0x1d0: {  	v26 =	vld [tilespmem:s25+$0xC0];
	v27 =	vshrl.u32 v20, $0x5  }
0x1d1: {  	v28 =	vld [tilespmem:s25+$0xB0];
	v29 =	vshrl.u32 v21, $0x5  }
0x1d2: {  	v30 =	vld [tilespmem:s25+$0xA0]  }
0x1d3: {  	v31 =	vld [tilespmem:s25+$0x90];
	v32 =	vshrl.u32 v23, $0x5  }
0x1d4: {  	v24 =	vld.idx.msk [tilespmem:v24+s17+$0x0], $0xffff  }
0x1d5: {  	v33 =	vshrl.u32 v26, $0x5;
	v27 =	vld.idx.msk [tilespmem:v27+s17+$0x0], $0xffff  }
0x1d6: {  	v34 =	vand.u32 $0x1F, v25;
	v29 =	vld.idx.msk [tilespmem:v29+s17+$0x0], $0xffff  }
0x1d7: {  	v23 =	vand.u32 $0x1F, v23;
	v37 =	vshrl.u32 v28, $0x5;
	v35 =	vld [tilespmem:s25+$0xFFFFFFD0];
	v36 =	vshrl.u32 v30, $0x5  }
0x1d8: {  	v20 =	vand.u32 $0x1F, v20;
	v28 =	vand.u32 $0x1F, v28;
	v38 =	vshrl.u32 v31, $0x5;
	v32 =	vld.idx.msk [tilespmem:v32+s17+$0x0], $0xffff  }
0x1d9: {  	v40 =	vshrl.u32 v18, $0x5;
	v19 =	vand.u32 $0x1F, v19;
	v21 =	vand.u32 $0x1F, v21;
	v39 =	vld [tilespmem:s25+$0xFFFFFFB0]  }
0x1da: {  	v19 =	vshrl.u32 v24, v19;
	v24 =	vshrl.u32 v17, $0x5;
	v17 =	vand.u32 $0x1F, v17;
	v33 =	vld.idx.msk [tilespmem:v33+s17+$0x0], $0xffff  }
0x1db: {  	v42 =	vshrl.u32 v16, $0x5;
	v18 =	vand.u32 $0x1F, v18;
	v19 =	vand.u32 $0x1, v19;
	v41 =	vld [tilespmem:s25+$0xFFFFFF90]  }
0x1dc: {  	v20 =	vshrl.u32 v27, v20;
	v43 =	vshrl.u32 v35, $0x5;
	v35 =	vand.u32 $0x1F, v35;
	v37 =	vld.idx.msk [tilespmem:v37+s17+$0x0], $0xffff  }
0x1dd: {  	v30 =	vand.u32 $0x1F, v30;
	v27 =	vshrl.u32 v22, $0x5;
	v20 =	vand.u32 $0x1, v20;
	v38 =	vld.idx.msk [tilespmem:v38+s17+$0x0], $0xffff  }
0x1de: {  	v22 =	vand.u32 $0x1F, v22;
	vm0 =	veq.s32 v20, $0x0;
	v44 =	vshrl.u32 v39, $0x5;
	v40 =	vld.idx.msk [tilespmem:v40+s17+$0x0], $0xffff  }
0x1df: {  	vm1 =	veq.s32 v19, $0x0;
	v19 =	vshrl.u32 v25, $0x5;
	v20 =	vld.idx.msk [tilespmem:v24+s17+$0x0], $0xffff;
	v24 =	vand.u32 $0x1F, v26  }
0x1e0: {  	v21 =	vshrl.u32 v29, v21;
	v25 =	vshrl.u32 v41, $0x5;
	v26 =	vld.idx.msk [tilespmem:v42+s17+$0x0], $0xffff;
	v24 =	vshrl.u32 v33, v24  }
0x1e1: {  	v16 =	vand.u32 $0x1F, v16;
	v21 =	vand.u32 $0x1, v21;
	v29 =	vld.idx.msk [tilespmem:v43+s17+$0x0], $0xffff;
	v24 =	vand.u32 $0x1, v24  }
0x1e2: {  	v31 =	vand.u32 $0x1F, v31;
	v23 =	vshrl.u32 v32, v23;
	v28 =	vshrl.u32 v37, v28;
	v27 =	vld.idx.msk [tilespmem:v27+s17+$0x0], $0xffff  }
0x1e3: {  	v23 =	vand.u32 $0x1, v23;
	v31 =	vshrl.u32 v38, v31;
	v28 =	vand.u32 $0x1, v28;
	v32 =	vld.idx.msk [tilespmem:v44+s17+$0x0], $0xffff  }
0x1e4: {  	v33 =	vand.u32 $0x1F, v41;
	v18 =	vshrl.u32 v40, v18;
	v31 =	vand.u32 $0x1, v31;
	v19 =	vld.idx.msk [tilespmem:v19+s17+$0x0], $0xffff  }
0x1e5: {  	[tilespmem:v15+s4+$0x0] =	vst.idx.add.s32.msk vm1, v1;
	v15 =	vshrl.u32 v20, v17;
	v17 =	vand.u32 $0x1, v18;
	vm1 =	veq.s32 v21, $0x0  }
0x1e6: {  	vm2 =	veq.s32 v24, $0x0;
	v16 =	vshrl.u32 v26, v16;
	v18 =	vld.idx.msk [tilespmem:v25+s17+$0x0], $0xffff;
	v15 =	vand.u32 $0x1, v15  }
0x1e7: {  	vm4 =	veq.s32 v23, $0x0;
	v16 =	vand.u32 $0x1, v16;
	vm5 =	veq.s32 v15, $0x0;
	v15 =	vld.idx.msk [tilespmem:v36+s17+$0x0], $0xffff  }
0x1e8: {  	v20 =	vshrl.u32 v29, v35;
	vm6 =	veq.s32 v17, $0x0;
	vm3 =	veq.s32 v16, $0x0;
	[tilespmem:v14+s4+$0x0] =	vst.idx.add.s32.msk vm0, v1  }
0x1e9: {  	vm8 =	veq.s32 v31, $0x0;
	v16 =	vshrl.u32 v27, v22;
	v14 =	vand.u32 $0x1F, v39;
	v17 =	vld [tilespmem:s25+$0x30]  }
0x1ea: {  	v20 =	vand.u32 $0x1, v20;
	v16 =	vand.u32 $0x1, v16;
	v14 =	vshrl.u32 v32, v14;
	v21 =	vld [tilespmem:s25+$0xFFFFFF60]  }
0x1eb: {  	vm9 =	veq.s32 v28, $0x0;
	v19 =	vshrl.u32 v19, v34;
	v14 =	vand.u32 $0x1, v14;
	[tilespmem:v13+s4+$0x0] =	vst.idx.add.s32.msk vm1, v1  }
0x1ec: {  	v13 =	vshrl.u32 v18, v33;
	v18 =	vand.u32 $0x1, v19;
	vm1 =	veq.s32 v16, $0x0;
	[tilespmem:v12+s4+$0x0] =	vst.idx.add.s32.msk vm2, v1  }
0x1ed: {  	v12 =	vand.u32 $0x1, v13;
	vm2 =	veq.s32 v18, $0x0;
	v13 =	vshrl.u32 v15, v30;
	[tilespmem:v11+s4+$0x0] =	vst.idx.add.s32.msk vm4, v1  }
.Ltmp13:
0x1ee: {  	vm0 =	veq.s32 v12, $0x0;
	vm4 =	veq.s32 v14, $0x0;
	[tilespmem:v10+s4+$0x0] =	vst.idx.add.s32.msk vm5, v1;
	v10 =	vand.u32 $0x1, v13;
	(pc) =	sbr.rel @p0 .LBB2_16-.Ltmp13, $4  }
0x1ef: {  	vm7 =	veq.s32 v20, $0x0;
	[tilespmem:v9+s4+$0x0] =	vst.idx.add.s32.msk vm6, v1;
	vm5 =	veq.s32 v10, $0x0  }
0x1f0: {  	[tilespmem:v8+s4+$0x0] =	vst.idx.add.s32.msk vm8, v1  }
0x1f1: {  	[tilespmem:v17+s4+$0x0] =	vst.idx.add.s32.msk vm9, v1  }
0x1f2: {  	s25 =	sadd.s32 $0x200, s25;
	[tilespmem:v21+s4+$0x0] =	vst.idx.add.s32.msk vm3, v1  }
0x1f3: {  	_ =	sdelay $0x4  }
0x1f4: {  	[tilespmem:v7+s4+$0x0] =	vst.idx.add.s32.msk vm1, v1  }
0x1f5: {  	[tilespmem:v6+s4+$0x0] =	vst.idx.add.s32.msk vm7, v1  }
0x1f6: {  	[tilespmem:v5+s4+$0x0] =	vst.idx.add.s32.msk vm2, v1  }
0x1f7: {  	[tilespmem:v4+s4+$0x0] =	vst.idx.add.s32.msk vm4, v1  }
0x1f8: {  	[tilespmem:v2+s4+$0x0] =	vst.idx.add.s32.msk vm5, v1  }
0x1f9: {  	[tilespmem:v3+s4+$0x0] =	vst.idx.add.s32.msk vm0, v1  }
.LBB2_18:
0x1fa: {  	s24 =	sadd.s32 $0x2, s23  }
0x1fb: {  	p0 =	sge.u32 s24, s7  }
0x1fc: {  	s24 =	sshll.u32 @!p0 s24, $0x5  }
0x1fd: {  	s24 =	sor.u32 @!p0 s5, s24  }
0x1fe: {  	s24 =	smul.u32 @!p0 $0x280, s24;
	_ =	sdelay $0x1  }
0x1ff: {  	s25 =	simm.s32 @!p0 $0x0;
	s26 =	simm.s32 @!p0 $0x19480;
	s24 =	sadd.s32 @!p0 s3, s24  }
0x200: {  	[tilespmem:s26], [sflag:$0x1] =	stream.linear.gather @!p0 [hbm4b:s24+s25], $0x1400, $0x38;
	[tilespmem:$0x1BC80] =	vst v63  }
0x201: {  	p0 =	sge.u32 s23, s10  }
.Ltmp14:
0x202: {  	_ = 	snop;
	(pc) =	sbr.rel @p0 .LBB2_22-.Ltmp14, $1  }
0x203: {  	_ =	sdelay $0x3  }
0x204: {  	_ =	swait.ge [sflag:s20], $0x1400  }
0x205: {  	[sflag:s20] =	ssyncset.done $0x0  }
0x206: {  	s24 =	simm.s32 $0x1A980;
	[sflag:s20] =	ssyncadd.s32 $0xFFFFEC00  }
0x207: {  	v2 =	vld [tilespmem:s24+$0x20]  }
0x208: {  	v3 =	vld [tilespmem:s24+$0xFFFFFF10]  }
0x209: {  	v4 =	vld [tilespmem:s24+$0xFFFFFF30]  }
0x20a: {  	v5 =	vld [tilespmem:s24+$0xFFFFFF20]  }
0x20b: {  	v6 =	vld [tilespmem:s24+$0xFFFFFF50]  }
0x20c: {  	v7 =	vld [tilespmem:s24+$0xFFFFFF40]  }
0x20d: {  	v8 =	vld [tilespmem:s24+$0x10]  }
0x20e: {  	v9 =	vld [tilespmem:s24+$0x0]  }
0x20f: {  	v10 =	vld [tilespmem:s24+$0xFFFFFF70]  }
0x210: {  	v11 =	vld [tilespmem:s24+$0x50]  }
0x211: {  	v12 =	vld [tilespmem:s24+$0x40]  }
0x212: {  	v13 =	vld [tilespmem:s24+$0x60]  }
0x213: {  	v14 =	vld [tilespmem:s24+$0x70]  }
0x214: {  	v15 =	vld [tilespmem:s24+$0xFFFFFF00]  }
0x215: {  	v16 =	vld [tilespmem:s24+$0xFFFFFFE0]  }
0x216: {  	v17 =	vld [tilespmem:s24+$0xFFFFFFF0]  }
0x217: {  	v18 =	vld [tilespmem:s24+$0x80]  }
0x218: {  	v19 =	vld [tilespmem:s24+$0xFFFFFF80]  }
0x219: {  	v20 =	vld [tilespmem:s24+$0xF0]  }
0x21a: {  	v21 =	vld [tilespmem:s24+$0xE0]  }
0x21b: {  	v22 =	vld [tilespmem:s24+$0xFFFFFFC0]  }
0x21c: {  	v23 =	vld [tilespmem:s24+$0xD0]  }
0x21d: {  	v25 =	vld [tilespmem:s24+$0xFFFFFFA0]  }
0x21e: {  	v26 =	vld [tilespmem:s24+$0xC0]  }
0x21f: {  	v28 =	vld [tilespmem:s24+$0xB0]  }
0x220: {  	v30 =	vld [tilespmem:s24+$0xA0]  }
0x221: {  	v31 =	vld [tilespmem:s24+$0x90]  }
0x222: {  	v34 =	vld [tilespmem:s24+$0xFFFFFFD0];
	v24 =	vshrl.u32 v19, $0x5  }
0x223: {  	v37 =	vld [tilespmem:s24+$0xFFFFFFB0];
	v27 =	vshrl.u32 v20, $0x5  }
0x224: {  	v40 =	vld [tilespmem:s24+$0xFFFFFF90];
	v29 =	vshrl.u32 v21, $0x5  }
0x225: {  	v51 =	vld [tilespmem:s24+$0x30];
	v32 =	vshrl.u32 v23, $0x5  }
0x226: {  	v52 =	vld [tilespmem:s24+$0xFFFFFF60];
	v33 =	vshrl.u32 v26, $0x5  }
0x227: {  	v35 =	vshrl.u32 v28, $0x5;
	v24 =	vld.idx.msk [tilespmem:v24+s17+$0x0], $0xffff  }
0x228: {  	v36 =	vshrl.u32 v31, $0x5;
	v38 =	vshrl.u32 v18, $0x5;
	v39 =	vshrl.u32 v17, $0x5;
	v27 =	vld.idx.msk [tilespmem:v27+s17+$0x0], $0xffff  }
0x229: {  	v19 =	vand.u32 $0x1F, v19;
	v41 =	vshrl.u32 v16, $0x5;
	v42 =	vand.u32 $0x1F, v25;
	v29 =	vld.idx.msk [tilespmem:v29+s17+$0x0], $0xffff  }
0x22a: {  	v59 =	vshrl.u32 v34, $0x5;
	v43 =	vshrl.u32 v30, $0x5;
	v44 =	vshrl.u32 v22, $0x5;
	v32 =	vld.idx.msk [tilespmem:v32+s17+$0x0], $0xffff  }
0x22b: {  	v23 =	vand.u32 $0x1F, v23;
	v60 =	vshrl.u32 v37, $0x5;
	v28 =	vand.u32 $0x1F, v28;
	v33 =	vld.idx.msk [tilespmem:v33+s17+$0x0], $0xffff  }
0x22c: {  	v20 =	vand.u32 $0x1F, v20;
	v25 =	vshrl.u32 v25, $0x5;
	v21 =	vand.u32 $0x1F, v21;
	v35 =	vld.idx.msk [tilespmem:v35+s17+$0x0], $0xffff  }
0x22d: {  	v17 =	vand.u32 $0x1F, v17;
	v18 =	vand.u32 $0x1F, v18;
	v39 =	vld.idx.msk [tilespmem:v39+s17+$0x0], $0xffff;
	v19 =	vshrl.u32 v24, v19  }
0x22e: {  	v62 =	vshrl.u32 v40, $0x5;
	v36 =	vld.idx.msk [tilespmem:v36+s17+$0x0], $0xffff;
	v20 =	vshrl.u32 v27, v20;
	v19 =	vand.u32 $0x1, v19  }
0x22f: {  	v34 =	vand.u32 $0x1F, v34;
	v38 =	vld.idx.msk [tilespmem:v38+s17+$0x0], $0xffff;
	v20 =	vand.u32 $0x1, v20;
	vm0 =	veq.s32 v19, $0x0  }
0x230: {  	v63 =	vand.u32 $0x1F, v26;
	v30 =	vand.u32 $0x1F, v30;
	v61 =	vld.idx.msk [tilespmem:v41+s17+$0x0], $0xffff;
	vm1 =	veq.s32 v20, $0x0  }
0x231: {  	v16 =	vand.u32 $0x1F, v16;
	v45 =	vand.u32 $0x1F, v31;
	v44 =	vld.idx.msk [tilespmem:v44+s17+$0x0], $0xffff;
	v23 =	vshrl.u32 v32, v23  }
0x232: {  	v53 =	vand.u32 $0x1F, v22;
	v25 =	vld.idx.msk [tilespmem:v25+s17+$0x0], $0xffff;
	v17 =	vshrl.u32 v39, v17;
	v46 =	vand.u32 $0x1, v23  }
0x233: {  	v47 =	vld.idx.msk [tilespmem:v62+s17+$0x0], $0xffff;
	v21 =	vshrl.u32 v29, v21;
	v17 =	vand.u32 $0x1, v17;
	vm3 =	veq.s32 v46, $0x0  }
0x234: {  	v24 =	vld.idx.msk [tilespmem:v59+s17+$0x0], $0xffff;
	v18 =	vshrl.u32 v38, v18;
	v21 =	vand.u32 $0x1, v21;
	vm4 =	veq.s32 v17, $0x0  }
0x235: {  	v16 =	vshrl.u32 v61, v16;
	v18 =	vand.u32 $0x1, v18;
	[tilespmem:v15+s4+$0x0] =	vst.idx.add.s32.msk vm0, v1;
	vm0 =	veq.s32 v21, $0x0  }
0x236: {  	v16 =	vand.u32 $0x1, v16;
	v20 =	vshrl.u32 v33, v63;
	[tilespmem:v14+s4+$0x0] =	vst.idx.add.s32.msk vm1, v1;
	vm1 =	veq.s32 v18, $0x0  }
0x237: {  	v48 =	vld.idx.msk [tilespmem:v43+s17+$0x0], $0xffff;
	v49 =	vshrl.u32 v36, v45;
	vm8 =	veq.s32 v16, $0x0;
	v20 =	vand.u32 $0x1, v20  }
0x238: {  	v50 =	vshrl.u32 v35, v28;
	v19 =	vld.idx.msk [tilespmem:v60+s17+$0x0], $0xffff;
	vm2 =	veq.s32 v20, $0x0;
	v15 =	vand.u32 $0x1, v49  }
0x239: {  	v55 =	vand.u32 $0x1F, v37;
	v14 =	vand.u32 $0x1, v50;
	[tilespmem:v11+s4+$0x0] =	vst.idx.add.s32.msk vm3, v1;
	vm5 =	veq.s32 v15, $0x0  }
0x23a: {  	v56 =	vand.u32 $0x1F, v40;
	v57 =	vshrl.u32 v44, v53;
	[tilespmem:v10+s4+$0x0] =	vst.idx.add.s32.msk vm4, v1;
	vm6 =	veq.s32 v14, $0x0  }
0x23b: {  	v59 =	vshrl.u32 v25, v42;
	v58 =	vand.u32 $0x1, v57;
	v54 =	vshrl.u32 v24, v34;
	[tilespmem:v13+s4+$0x0] =	vst.idx.add.s32.msk vm0, v1  }
0x23c: {  	v61 =	vand.u32 $0x1, v59;
	v13 =	vand.u32 $0x1, v54;
	[tilespmem:v9+s4+$0x0] =	vst.idx.add.s32.msk vm1, v1;
	vm1 =	veq.s32 v58, $0x0  }
0x23d: {  	v63 =	vshrl.u32 v48, v30;
	[tilespmem:v52+s4+$0x0] =	vst.idx.add.s32.msk vm8, v1;
	v14 =	vshrl.u32 v19, v55;
	vm7 =	veq.s32 v13, $0x0  }
0x23e: {  	[tilespmem:v12+s4+$0x0] =	vst.idx.add.s32.msk vm2, v1;
	v60 =	vand.u32 $0x1, v14;
	v12 =	vshrl.u32 v47, v56;
	vm2 =	veq.s32 v61, $0x0  }
0x23f: {  	v62 =	vand.u32 $0x1, v12;
	vm4 =	veq.s32 v60, $0x0;
	[tilespmem:v8+s4+$0x0] =	vst.idx.add.s32.msk vm5, v1;
	v8 =	vand.u32 $0x1, v63  }
0x240: {  	s25 =	simm.s32 $0x1AB80;
	s24 =	simm.s32 $0x0;
	vm0 =	veq.s32 v62, $0x0;
	[tilespmem:v51+s4+$0x0] =	vst.idx.add.s32.msk vm6, v1;
	vm5 =	veq.s32 v8, $0x0  }
.LBB2_20:
0x241: {  	v8 =	vld [tilespmem:s25+$0x20];
	s24 =	sadd.s32 $0x10, s24  }
0x242: {  	p0 =	slt.u32 s24, $0x90;
	[tilespmem:v7+s4+$0x0] =	vst.idx.add.s32.msk vm1, v1  }
0x243: {  	[tilespmem:v6+s4+$0x0] =	vst.idx.add.s32.msk vm7, v1  }
0x244: {  	[tilespmem:v5+s4+$0x0] =	vst.idx.add.s32.msk vm2, v1  }
0x245: {  	[tilespmem:v4+s4+$0x0] =	vst.idx.add.s32.msk vm4, v1  }
0x246: {  	[tilespmem:v2+s4+$0x0] =	vst.idx.add.s32.msk vm5, v1;
	v2 =	vmov v8  }
0x247: {  	[tilespmem:v3+s4+$0x0] =	vst.idx.add.s32.msk vm0, v1  }
0x248: {  	v3 =	vld [tilespmem:s25+$0xFFFFFF10]  }
0x249: {  	v4 =	vld [tilespmem:s25+$0xFFFFFF30]  }
0x24a: {  	v5 =	vld [tilespmem:s25+$0xFFFFFF20]  }
0x24b: {  	v6 =	vld [tilespmem:s25+$0xFFFFFF50]  }
0x24c: {  	v7 =	vld [tilespmem:s25+$0xFFFFFF40]  }
0x24d: {  	v8 =	vld [tilespmem:s25+$0x10]  }
0x24e: {  	v9 =	vld [tilespmem:s25+$0x0]  }
0x24f: {  	v10 =	vld [tilespmem:s25+$0xFFFFFF70]  }
0x250: {  	v11 =	vld [tilespmem:s25+$0x50]  }
0x251: {  	v12 =	vld [tilespmem:s25+$0x40]  }
0x252: {  	v13 =	vld [tilespmem:s25+$0x60]  }
0x253: {  	v14 =	vld [tilespmem:s25+$0x70]  }
0x254: {  	v15 =	vld [tilespmem:s25+$0xFFFFFF00]  }
0x255: {  	v16 =	vld [tilespmem:s25+$0xFFFFFFE0]  }
0x256: {  	v17 =	vld [tilespmem:s25+$0xFFFFFFF0]  }
0x257: {  	v18 =	vld [tilespmem:s25+$0x80]  }
0x258: {  	v19 =	vld [tilespmem:s25+$0xFFFFFF80]  }
0x259: {  	v20 =	vld [tilespmem:s25+$0xF0]  }
0x25a: {  	v21 =	vld [tilespmem:s25+$0xE0]  }
0x25b: {  	v22 =	vld [tilespmem:s25+$0xFFFFFFC0]  }
0x25c: {  	v23 =	vld [tilespmem:s25+$0xD0]  }
0x25d: {  	v24 =	vshrl.u32 v19, $0x5;
	v25 =	vld [tilespmem:s25+$0xFFFFFFA0]  }
0x25e: {  	v26 =	vld [tilespmem:s25+$0xC0];
	v27 =	vshrl.u32 v20, $0x5  }
0x25f: {  	v28 =	vld [tilespmem:s25+$0xB0];
	v29 =	vshrl.u32 v21, $0x5  }
0x260: {  	v30 =	vld [tilespmem:s25+$0xA0]  }
0x261: {  	v31 =	vld [tilespmem:s25+$0x90];
	v32 =	vshrl.u32 v23, $0x5  }
0x262: {  	v24 =	vld.idx.msk [tilespmem:v24+s17+$0x0], $0xffff  }
0x263: {  	v33 =	vshrl.u32 v26, $0x5;
	v27 =	vld.idx.msk [tilespmem:v27+s17+$0x0], $0xffff  }
0x264: {  	v34 =	vand.u32 $0x1F, v25;
	v29 =	vld.idx.msk [tilespmem:v29+s17+$0x0], $0xffff  }
0x265: {  	v23 =	vand.u32 $0x1F, v23;
	v37 =	vshrl.u32 v28, $0x5;
	v35 =	vld [tilespmem:s25+$0xFFFFFFD0];
	v36 =	vshrl.u32 v30, $0x5  }
0x266: {  	v20 =	vand.u32 $0x1F, v20;
	v28 =	vand.u32 $0x1F, v28;
	v38 =	vshrl.u32 v31, $0x5;
	v32 =	vld.idx.msk [tilespmem:v32+s17+$0x0], $0xffff  }
0x267: {  	v40 =	vshrl.u32 v18, $0x5;
	v19 =	vand.u32 $0x1F, v19;
	v21 =	vand.u32 $0x1F, v21;
	v39 =	vld [tilespmem:s25+$0xFFFFFFB0]  }
0x268: {  	v19 =	vshrl.u32 v24, v19;
	v24 =	vshrl.u32 v17, $0x5;
	v17 =	vand.u32 $0x1F, v17;
	v33 =	vld.idx.msk [tilespmem:v33+s17+$0x0], $0xffff  }
0x269: {  	v42 =	vshrl.u32 v16, $0x5;
	v18 =	vand.u32 $0x1F, v18;
	v19 =	vand.u32 $0x1, v19;
	v41 =	vld [tilespmem:s25+$0xFFFFFF90]  }
0x26a: {  	v20 =	vshrl.u32 v27, v20;
	v43 =	vshrl.u32 v35, $0x5;
	v35 =	vand.u32 $0x1F, v35;
	v37 =	vld.idx.msk [tilespmem:v37+s17+$0x0], $0xffff  }
0x26b: {  	v30 =	vand.u32 $0x1F, v30;
	v27 =	vshrl.u32 v22, $0x5;
	v20 =	vand.u32 $0x1, v20;
	v38 =	vld.idx.msk [tilespmem:v38+s17+$0x0], $0xffff  }
0x26c: {  	v22 =	vand.u32 $0x1F, v22;
	vm0 =	veq.s32 v20, $0x0;
	v44 =	vshrl.u32 v39, $0x5;
	v40 =	vld.idx.msk [tilespmem:v40+s17+$0x0], $0xffff  }
0x26d: {  	vm1 =	veq.s32 v19, $0x0;
	v19 =	vshrl.u32 v25, $0x5;
	v20 =	vld.idx.msk [tilespmem:v24+s17+$0x0], $0xffff;
	v24 =	vand.u32 $0x1F, v26  }
0x26e: {  	v21 =	vshrl.u32 v29, v21;
	v25 =	vshrl.u32 v41, $0x5;
	v26 =	vld.idx.msk [tilespmem:v42+s17+$0x0], $0xffff;
	v24 =	vshrl.u32 v33, v24  }
0x26f: {  	v16 =	vand.u32 $0x1F, v16;
	v21 =	vand.u32 $0x1, v21;
	v29 =	vld.idx.msk [tilespmem:v43+s17+$0x0], $0xffff;
	v24 =	vand.u32 $0x1, v24  }
0x270: {  	v31 =	vand.u32 $0x1F, v31;
	v23 =	vshrl.u32 v32, v23;
	v28 =	vshrl.u32 v37, v28;
	v27 =	vld.idx.msk [tilespmem:v27+s17+$0x0], $0xffff  }
0x271: {  	v23 =	vand.u32 $0x1, v23;
	v31 =	vshrl.u32 v38, v31;
	v28 =	vand.u32 $0x1, v28;
	v32 =	vld.idx.msk [tilespmem:v44+s17+$0x0], $0xffff  }
0x272: {  	v33 =	vand.u32 $0x1F, v41;
	v18 =	vshrl.u32 v40, v18;
	v31 =	vand.u32 $0x1, v31;
	v19 =	vld.idx.msk [tilespmem:v19+s17+$0x0], $0xffff  }
0x273: {  	[tilespmem:v15+s4+$0x0] =	vst.idx.add.s32.msk vm1, v1;
	v15 =	vshrl.u32 v20, v17;
	v17 =	vand.u32 $0x1, v18;
	vm1 =	veq.s32 v21, $0x0  }
0x274: {  	vm2 =	veq.s32 v24, $0x0;
	v16 =	vshrl.u32 v26, v16;
	v18 =	vld.idx.msk [tilespmem:v25+s17+$0x0], $0xffff;
	v15 =	vand.u32 $0x1, v15  }
0x275: {  	vm4 =	veq.s32 v23, $0x0;
	v16 =	vand.u32 $0x1, v16;
	vm5 =	veq.s32 v15, $0x0;
	v15 =	vld.idx.msk [tilespmem:v36+s17+$0x0], $0xffff  }
0x276: {  	v20 =	vshrl.u32 v29, v35;
	vm6 =	veq.s32 v17, $0x0;
	vm3 =	veq.s32 v16, $0x0;
	[tilespmem:v14+s4+$0x0] =	vst.idx.add.s32.msk vm0, v1  }
0x277: {  	vm8 =	veq.s32 v31, $0x0;
	v16 =	vshrl.u32 v27, v22;
	v14 =	vand.u32 $0x1F, v39;
	v17 =	vld [tilespmem:s25+$0x30]  }
0x278: {  	v20 =	vand.u32 $0x1, v20;
	v16 =	vand.u32 $0x1, v16;
	v14 =	vshrl.u32 v32, v14;
	v21 =	vld [tilespmem:s25+$0xFFFFFF60]  }
0x279: {  	vm9 =	veq.s32 v28, $0x0;
	v19 =	vshrl.u32 v19, v34;
	v14 =	vand.u32 $0x1, v14;
	[tilespmem:v13+s4+$0x0] =	vst.idx.add.s32.msk vm1, v1  }
0x27a: {  	v13 =	vshrl.u32 v18, v33;
	v18 =	vand.u32 $0x1, v19;
	vm1 =	veq.s32 v16, $0x0;
	[tilespmem:v12+s4+$0x0] =	vst.idx.add.s32.msk vm2, v1  }
0x27b: {  	v12 =	vand.u32 $0x1, v13;
	vm2 =	veq.s32 v18, $0x0;
	v13 =	vshrl.u32 v15, v30;
	[tilespmem:v11+s4+$0x0] =	vst.idx.add.s32.msk vm4, v1  }
.Ltmp15:
0x27c: {  	vm0 =	veq.s32 v12, $0x0;
	vm4 =	veq.s32 v14, $0x0;
	[tilespmem:v10+s4+$0x0] =	vst.idx.add.s32.msk vm5, v1;
	v10 =	vand.u32 $0x1, v13;
	(pc) =	sbr.rel @p0 .LBB2_20-.Ltmp15, $4  }
0x27d: {  	vm7 =	veq.s32 v20, $0x0;
	[tilespmem:v9+s4+$0x0] =	vst.idx.add.s32.msk vm6, v1;
	vm5 =	veq.s32 v10, $0x0  }
0x27e: {  	[tilespmem:v8+s4+$0x0] =	vst.idx.add.s32.msk vm8, v1  }
0x27f: {  	[tilespmem:v17+s4+$0x0] =	vst.idx.add.s32.msk vm9, v1  }
0x280: {  	s25 =	sadd.s32 $0x200, s25;
	[tilespmem:v21+s4+$0x0] =	vst.idx.add.s32.msk vm3, v1  }
0x281: {  	_ =	sdelay $0x4  }
0x282: {  	[tilespmem:v7+s4+$0x0] =	vst.idx.add.s32.msk vm1, v1  }
.Ltmp16:
0x283: {  	[tilespmem:v6+s4+$0x0] =	vst.idx.add.s32.msk vm7, v1;
	(pc) =	sbr.rel .LBB2_22-.Ltmp16, $4  }
0x284: {  	[tilespmem:v5+s4+$0x0] =	vst.idx.add.s32.msk vm2, v1  }
0x285: {  	[tilespmem:v4+s4+$0x0] =	vst.idx.add.s32.msk vm4, v1  }
0x286: {  	[tilespmem:v2+s4+$0x0] =	vst.idx.add.s32.msk vm5, v1  }
0x287: {  	[tilespmem:v3+s4+$0x0] =	vst.idx.add.s32.msk vm0, v1  }
.LBB2_24:
0x288: {  	_ =	sfence.sel $0x180000  }
0x289: {  	[bflag:$0x0] =	sbarrier.arrive $0xFFFF  }
0x28a: {  	p0 =	sne.s32 s0, $0x0;
	_ =	strace $0x90000047  }
0x28b: {  	s0 =	sadd.s32 @!p0 $0x100000, s2;
	[bflag:$0x2] =	sbarrier.arrive $0xFFFF  }
0x28c: {  	[sflag:s0] =	ssyncadd.tile.s32 @!p0 $0x1;
	_ =	shalt  }
.Lfunc_end2:
_tile_overlayer_lowered:
.L_overlay_start_2:
0x28d: {  	(tag) =	ssettag $0x2  }
0x28e: {  	s0 =	rddreg [dreg:$0x0];
	s2 =	stileid.u32  }
0x28f: {  	s1 =	rddreg [dreg:$0x1];
	p0 =	sne.s32 s2, $0x0  }
0x290: {  	s3 =	rddreg [dreg:$0x2];
	[bflag:$0x3] =	sbarrier.arrive $0xFFFF;
	s2 =	simm.s32 @!p0 $0x1C03  }
0x291: {  	[timem:s3], [sflag:s2] =	dma.local @!p0 [hbm:s0], s1  }
0x292: {  	s0 =	simm.s32 @!p0 $0x3  }
0x293: {  	_ =	swait.ge @!p0 [sflag:s0], s1  }
0x294: {  	s1 =	ssub.s32 @!p0 $0x0, s1;
	[sflag:s0] =	ssyncset.done @!p0 $0x0  }
0x295: {  	[sflag:s0] =	ssyncadd.s32 @!p0 s1  }
0x296: {  	[bflag:$0x3] =	sbarrier.arrive $0xFFFF  }
0x297: {  	_ =	shalt  }

</sc_bundles>
